<compile_context>
chip_gen: v7x
topology: tpu7x:2x2x1
jax: 0.10.2.dev20260603
libtpu: 0.0.44.dev20260713+nightly
codegen_flags: <defaults>
</compile_context>

<pallas_src>
import functools
import math

import jax
import jax.numpy as jnp
from jax import lax
from jax.experimental import pallas as pl
from jax.experimental.pallas import tpu as pltpu
from jax.experimental.pallas import tpu_sc as plsc

_N = 8192
_D = 128
_K = 32
_DFF = int(_D * 1.5)

_NC = 2
_NS = 16
_NW = _NC * _NS
_NODES_W = _N // _NW
_CH_NODES = 8
_CH_PAIRS = _CH_NODES * _K
_N_CH = _NODES_W // _CH_NODES
_IDXW = 128


def _kv_body(x_ref, wk_ref, wv_ref, kv_ref):
    xb = x_ref[...]
    k = jnp.dot(xb, wk_ref[...], preferred_element_type=jnp.float32)
    v = jnp.dot(xb, wv_ref[...], preferred_element_type=jnp.float32)
    ki = lax.bitcast_convert_type(k.astype(jnp.bfloat16),
                                  jnp.int16).astype(jnp.int32)
    vi = lax.bitcast_convert_type(v.astype(jnp.bfloat16),
                                  jnp.int16).astype(jnp.int32)
    kv_ref[...] = (ki & 0xFFFF) | (vi << 16)


def _project_kv(x, Wk, Wv):
    bp = 1024
    return pl.pallas_call(
        _kv_body,
        grid=(_N // bp,),
        in_specs=[
            pl.BlockSpec((bp, _D), lambda i: (i, 0)),
            pl.BlockSpec((_D, _D), lambda i: (0, 0)),
            pl.BlockSpec((_D, _D), lambda i: (0, 0)),
        ],
        out_specs=pl.BlockSpec((bp, _D), lambda i: (i, 0)),
        out_shape=jax.ShapeDtypeStruct((_N, _D), jnp.int32),
    )(x, Wk, Wv)


_ROWS_W = _NODES_W * _K // _IDXW
_CH_ROWS = _CH_PAIRS // _IDXW


def _sc_gather_kernel(kv_hbm, inxs_hbm, kvn_out,
                      idx_all, b0, b1, b2,
                      gsem0, gsem1, gsem2, wsem0, wsem1, wsem2):
    wid = lax.axis_index("s") * _NC + lax.axis_index("c")
    node0 = wid * _NODES_W
    pltpu.sync_copy(inxs_hbm.at[pl.ds(wid * _ROWS_W, _ROWS_W)], idx_all)

    bufs = (b0, b1, b2)
    gsems = (gsem0, gsem1, gsem2)
    wsems = (wsem0, wsem1, wsem2)

    def gmk(g, slot):
        return [pltpu.make_async_copy(
            kv_hbm.at[idx_all.at[g * _CH_ROWS + j]],
            bufs[slot].at[pl.ds(j * _IDXW, _IDXW)],
            gsems[slot]) for j in range(_CH_ROWS)]

    def wmk(g, slot):
        pair0 = (node0 + g * _CH_NODES) * _K
        return pltpu.make_async_copy(
            bufs[slot], kvn_out.at[pl.ds(pair0, _CH_PAIRS)], wsems[slot])

    for cp in gmk(0, 0):
        cp.start()
    for cp in gmk(1, 1):
        cp.start()

    def body(g, carry):
        s = lax.rem(g, 3)

        def run(sl):
            for cp in gmk(g, sl):
                cp.wait()
            wmk(g, sl).start()

            @pl.when(g >= 1)
            def _():
                wmk(g - 1, (sl + 2) % 3).wait()

            @pl.when(g + 2 < _N_CH)
            def _():
                for cp in gmk(g + 2, (sl + 2) % 3):
                    cp.start()

        for sl in range(3):
            @pl.when(s == sl)
            def _():
                run(sl)
        return carry

    lax.fori_loop(0, _N_CH, body, 0)
    wmk(_N_CH - 1, (_N_CH - 1) % 3).wait()


def _sc_gather(kv, inxs2d):
    mesh = plsc.VectorSubcoreMesh(core_axis_name="c", subcore_axis_name="s",
                                  num_cores=_NC, num_subcores=_NS)
    fn = functools.partial(
        pl.kernel,
        out_type=jax.ShapeDtypeStruct((_N * _K, _D), jnp.int32),
        mesh=mesh,
        scratch_types=(
            pltpu.VMEM((_ROWS_W, _IDXW), jnp.int32),
            pltpu.VMEM((_CH_PAIRS, _D), jnp.int32),
            pltpu.VMEM((_CH_PAIRS, _D), jnp.int32),
            pltpu.VMEM((_CH_PAIRS, _D), jnp.int32),
            pltpu.SemaphoreType.DMA,
            pltpu.SemaphoreType.DMA,
            pltpu.SemaphoreType.DMA,
            pltpu.SemaphoreType.DMA,
            pltpu.SemaphoreType.DMA,
            pltpu.SemaphoreType.DMA,
        ),
    )(_sc_gather_kernel)
    return fn(kv, inxs2d)


_INV_SQRT_D = 1.0 / math.sqrt(_D)


def _attn_body(x_ref, kvn_ref, adj_ref, ix_ref, rep_ref, oh_ref,
               wq_ref, wo_ref, l1g_ref, l1b_ref, w1_ref, b1_ref,
               w2_ref, b2_ref, l2g_ref, l2b_ref, out_ref, *, blk):
    f32 = jnp.float32
    dot = functools.partial(jnp.dot, preferred_element_type=f32)
    xb = x_ref[...]
    q = dot(xb, wq_ref[...])
    wkv = kvn_ref[...]
    kn = lax.bitcast_convert_type(wkv << 16, f32)
    vn = lax.bitcast_convert_type(wkv & jnp.int32(-65536), f32)
    bf16 = jnp.bfloat16
    rep = rep_ref[...]
    oh = oh_ref[...]
    ones_d_k = jnp.ones((_D, _K), bf16)
    ones_k_d = jnp.ones((_K, _D), bf16)
    q_rep = dot(rep, q.astype(bf16))
    e = q_rep * kn
    e1 = dot(e.astype(bf16), ones_d_k)
    scores = jnp.sum((e1 * oh).reshape(blk, _K, _K),
                     axis=1) * _INV_SQRT_D
    ix = ix_ref[...]
    lo = ix & (_D - 1)
    hi = ix >> 7
    macc = jnp.zeros((blk, _K), f32)
    for p in range(4):
        packed = jnp.zeros((blk, _D), f32)
        for mm in range(16):
            c = p * 16 + mm
            sg = adj_ref[:, c * _D:(c + 1) * _D] > 0
            packed = packed + jnp.where(sg, float(1 << mm), 0.0)
        gth = jnp.take_along_axis(packed, lo, axis=-1)
        macc = jnp.where((hi >> 4) == p, gth, macc)
    bits = (macc.astype(jnp.int32) >> (hi & 15)) & 1
    mask = jnp.where(bits == 1, 0.0, -1e22).astype(f32)
    s = scores + mask
    m = jnp.max(s, axis=-1, keepdims=True)
    ex = jnp.exp(s - m)
    attn = ex / jnp.sum(ex, axis=-1, keepdims=True)
    a1 = dot(rep, attn.astype(bf16))
    attn_rep = dot((a1 * oh).astype(bf16), ones_k_d)
    w = attn_rep * vn
    att = jnp.sum(w.reshape(blk, _K, _D), axis=1)
    att = dot(att, wo_ref[...])
    h = xb + jnp.maximum(att, 0.0)
    mu = jnp.mean(h, axis=-1, keepdims=True)
    var = jnp.mean((h - mu) ** 2, axis=-1, keepdims=True)
    h = (h - mu) / jnp.sqrt(var + 1e-5) * l1g_ref[...] + l1b_ref[...]
    f = jnp.maximum(dot(h, w1_ref[...]) + b1_ref[...], 0.0)
    f = dot(f, w2_ref[...]) + b2_ref[...]
    h2 = h + f
    mu2 = jnp.mean(h2, axis=-1, keepdims=True)
    var2 = jnp.mean((h2 - mu2) ** 2, axis=-1, keepdims=True)
    out_ref[...] = ((h2 - mu2) / jnp.sqrt(var2 + 1e-5) * l2g_ref[...]
                    + l2b_ref[...])


def _attn_ffn(x, kvn_flat, adj, inxs, Wq, Wo, ln1_g, ln1_b,
              W1, b1, W2, b2, ln2_g, ln2_b, interpret=False):
    blk = 128
    r = jnp.arange(blk * _K, dtype=jnp.int32)
    rep = (r[:, None] // _K == jnp.arange(blk)[None, :]).astype(jnp.bfloat16)
    oh = (r[:, None] % _K == jnp.arange(_K)[None, :]).astype(jnp.bfloat16)
    const = lambda i: (0, 0)
    return pl.pallas_call(
        functools.partial(_attn_body, blk=blk),
        grid=(_N // blk,),
        in_specs=[
            pl.BlockSpec((blk, _D), lambda i: (i, 0)),
            pl.BlockSpec((blk * _K, _D), lambda i: (i, 0)),
            pl.BlockSpec((blk, _N), lambda i: (i, 0)),
            pl.BlockSpec((blk, _K), lambda i: (i, 0)),
            pl.BlockSpec((blk * _K, blk), const),
            pl.BlockSpec((blk * _K, _K), const),
            pl.BlockSpec((_D, _D), const),
            pl.BlockSpec((_D, _D), const),
            pl.BlockSpec((1, _D), const),
            pl.BlockSpec((1, _D), const),
            pl.BlockSpec((_D, _DFF), const),
            pl.BlockSpec((1, _DFF), const),
            pl.BlockSpec((_DFF, _D), const),
            pl.BlockSpec((1, _D), const),
            pl.BlockSpec((1, _D), const),
            pl.BlockSpec((1, _D), const),
        ],
        out_specs=pl.BlockSpec((blk, _D), lambda i: (i, 0)),
        out_shape=jax.ShapeDtypeStruct((_N, _D), jnp.float32),
        interpret=interpret,
    )(x, kvn_flat, adj, inxs, rep, oh, Wq, Wo, ln1_g, ln1_b,
      W1, b1, W2, b2, ln2_g, ln2_b)


def kernel(x, adj, inxs, Wq, Wk, Wv, Wo, ln1_g, ln1_b, W1, b1, W2, b2,
           ln2_g, ln2_b):
    adj = jnp.squeeze(adj)
    inxs = inxs.astype(jnp.int32)
    kv = _project_kv(x, Wk, Wv)
    inxs2d = inxs.reshape(_N * _K // _IDXW, _IDXW)
    kvn_flat = _sc_gather(kv, inxs2d)
    return _attn_ffn(x, kvn_flat, adj, inxs,
                     Wq, Wo, ln1_g.reshape(1, _D), ln1_b.reshape(1, _D),
                     W1, b1.reshape(1, _DFF), W2, b2.reshape(1, _D),
                     ln2_g.reshape(1, _D), ln2_b.reshape(1, _D))

# --- scband reference (transcript-rebuilt; emitter-appended) ---
"""Pipeline reference for scband-similar-net-8108898255115 (READ-ONLY COPY).

The authoritative reference and input builder live on the scoring server;
editing this copy changes nothing except your own understanding.
"""

import jax, jax.numpy as jnp
import numpy as np

N = 8192
D = 128
K = 32
DFF = int(D * 1.5)


def _ln(h, g, b):
    m = h.mean(axis=-1, keepdims=True)
    v = ((h - m) ** 2).mean(axis=-1, keepdims=True)
    return (h - m) / jnp.sqrt(v + 1e-5) * g + b


def setup_inputs(seed: int = 0) -> dict:
    key = jax.random.key(seed)
    ks = jax.random.split(key, 10)
    s = 1.0 / np.sqrt(D)
    return {
        "x": jax.random.normal(ks[0], (N, D), jnp.float32),
        "adj": jax.random.normal(ks[1], (N, N), jnp.float32),
        "inxs": jax.random.randint(ks[2], (N, K), 0, N, dtype=jnp.int32),
        "Wq": jax.random.normal(ks[3], (D, D), jnp.float32) * s,
        "Wk": jax.random.normal(ks[4], (D, D), jnp.float32) * s,
        "Wv": jax.random.normal(ks[5], (D, D), jnp.float32) * s,
        "Wo": jax.random.normal(ks[6], (D, D), jnp.float32) * s,
        "ln1_g": jnp.ones((D,), jnp.float32),
        "ln1_b": jnp.zeros((D,), jnp.float32),
        "W1": jax.random.normal(ks[7], (D, DFF), jnp.float32) * s,
        "b1": jnp.zeros((DFF,), jnp.float32),
        "W2": jax.random.normal(ks[8], (DFF, D), jnp.float32) * (1.0 / np.sqrt(DFF)),
        "b2": jnp.zeros((D,), jnp.float32),
        "ln2_g": jnp.ones((D,), jnp.float32),
        "ln2_b": jnp.zeros((D,), jnp.float32),
    }


def reference(x, adj, inxs, Wq, Wk, Wv, Wo, ln1_g, ln1_b, W1, b1, W2, b2, ln2_g, ln2_b):
    adj = jnp.squeeze(adj)
    # MNeighborAttent: top-k neighbor attention; inxs[i] are neighbor node ids of node i
    q = x @ Wq
    k = x @ Wk
    v = x @ Wv
    k_n = jnp.take(k, inxs, axis=0)  # [N, K, D] gather
    v_n = jnp.take(v, inxs, axis=0)  # [N, K, D] gather
    adj_n = jnp.take_along_axis(adj, inxs.astype(jnp.int32), axis=1)  # [N, K]
    # _build_mask semantics: <=0 -> -1e22, >0 -> 0
    mask = jnp.where(adj_n > 0, 0.0, -1e22).astype(jnp.float32)
    scores = (q[:, None, :] * k_n).sum(-1) / np.sqrt(D) + mask
    attn = jax.nn.softmax(scores, axis=-1)
    att_out = (attn[..., None] * v_n).sum(axis=1) @ Wo
    h = jax.nn.relu(att_out)
    h = _ln(x + h, ln1_g, ln1_b)
    f = jax.nn.relu(h @ W1 + b1) @ W2 + b2
    out = _ln(h + f, ln2_g, ln2_b)
    return out

if __name__ == "__main__":
    import jax
    _d = setup_inputs()
    print(jax.jit(kernel)(*tuple(_d.values())))

</pallas_src>

<mosaic_0001>
#map = affine_map<(d0, d1) -> (0, 0)>
module attributes {stable_mosaic.version = 14 : i64} {
  func.func @_sc_gather_kernel(%arg0: i32, %arg1: i32, %arg2: memref<8192x128xi32, #tpu.memory_space<hbm>>, %arg3: memref<2048x128xi32, #tpu.memory_space<hbm>>, %arg4: memref<262144x128xi32, #tpu.memory_space<hbm>>, %arg5: memref<64x128xi32, #tpu.memory_space<vmem>>, %arg6: memref<256x128xi32, #tpu.memory_space<vmem>>, %arg7: memref<256x128xi32, #tpu.memory_space<vmem>>, %arg8: memref<256x128xi32, #tpu.memory_space<vmem>>, %arg9: memref<!tpu.dma_semaphore, #tpu.memory_space<semaphore_mem>>, %arg10: memref<!tpu.dma_semaphore, #tpu.memory_space<semaphore_mem>>, %arg11: memref<!tpu.dma_semaphore, #tpu.memory_space<semaphore_mem>>, %arg12: memref<!tpu.dma_semaphore, #tpu.memory_space<semaphore_mem>>, %arg13: memref<!tpu.dma_semaphore, #tpu.memory_space<semaphore_mem>>, %arg14: memref<!tpu.dma_semaphore, #tpu.memory_space<semaphore_mem>>) attributes {dimension_semantics = [#tpu.dimension_semantics<core_parallel>, #tpu.dimension_semantics<subcore_parallel>], iteration_bounds = array<i64: 2, 16>, scalar_prefetch = 0 : i64, scratch_operands = 10 : i64, tpu.core_type = #tpu.core_type<sc_vector_subcore>, window_params = [{transform_indices = #map}, {transform_indices = #map}, {transform_indices = #map}]} {
    %mul3A = arith.constant 2 : i32
    %mul3A_0 = arith.muli %arg1, %mul3A : i32
    %add3A = arith.addi %mul3A_0, %arg0 : i32
    %mul3A_1 = arith.constant 256 : i32
    %mul3A_2 = arith.muli %add3A, %mul3A_1 : i32
    %mul3A_3 = arith.constant 64 : i32
    %mul3A_4 = arith.muli %add3A, %mul3A_3 : i32
    "tpu.region"() ({
      %run_scoped3A = tpu.sem_alloc : memref<!tpu.dma_semaphore, #tpu.memory_space<semaphore_mem>>
      %dma_start3A_56 = arith.constant 0 : i32
      %dma_start3A_57 = tpu.memref_slice %arg3[%mul3A_4, %dma_start3A_56] : memref<2048x128xi32, #tpu.memory_space<hbm>> -> memref<64x128xi32, #tpu.memory_space<hbm>>
      %dma_start3A_58 = arith.constant 0 : i32
      %dma_start3A_59 = tpu.memref_slice %arg3[%mul3A_4, %dma_start3A_58] : memref<2048x128xi32, #tpu.memory_space<hbm>> -> memref<64x128xi32, #tpu.memory_space<hbm>>
      tpu.enqueue_dma source(%dma_start3A_59 : memref<64x128xi32, #tpu.memory_space<hbm>>) target(%arg5 : memref<64x128xi32, #tpu.memory_space<vmem>>) target_semaphore(%run_scoped3A : memref<!tpu.dma_semaphore, #tpu.memory_space<semaphore_mem>>)
      %dma_wait3A_60 = arith.constant 0 : i32
      %dma_wait3A_61 = tpu.memref_slice %arg3[%mul3A_4, %dma_wait3A_60] : memref<2048x128xi32, #tpu.memory_space<hbm>> -> memref<64x128xi32, #tpu.memory_space<hbm>>
      %dma_wait3A_62 = arith.constant 0 : i32
      %dma_wait3A_63 = tpu.memref_slice %arg3[%mul3A_4, %dma_wait3A_62] : memref<2048x128xi32, #tpu.memory_space<hbm>> -> memref<64x128xi32, #tpu.memory_space<hbm>>
      tpu.wait_dma2 semaphore(%run_scoped3A : memref<!tpu.dma_semaphore, #tpu.memory_space<semaphore_mem>>) src(%dma_wait3A_63 : memref<64x128xi32, #tpu.memory_space<hbm>>) dst(%arg5 : memref<64x128xi32, #tpu.memory_space<vmem>>)
      tpu.yield
    }) : () -> ()
    %dma_start3A = arith.constant 0 : i32
    %dma_start3A_5 = arith.constant 0 : i32
    %dma_start3A_6 = arith.constant 0 : i32
    %dma_start3A_7 = tpu.memref_slice %arg6[%dma_start3A_5, %dma_start3A_6] : memref<256x128xi32, #tpu.memory_space<vmem>> -> memref<128x128xi32, #tpu.memory_space<vmem>>
    %dma_start3A_8 = arith.constant 0 : i32
    %dma_start3A_9 = tpu.memref_slice %arg5[%dma_start3A, %dma_start3A_8] : memref<64x128xi32, #tpu.memory_space<vmem>> -> memref<1x128xi32, #tpu.memory_space<vmem>>
    %dma_start3A_10 = tpu.memref_squeeze %dma_start3A_9 : memref<1x128xi32, #tpu.memory_space<vmem>> -> memref<128xi32, #tpu.memory_space<vmem>>
    %dma_start3A_11 = arith.constant 0 : i32
    %dma_start3A_12 = arith.constant 0 : i32
    %dma_start3A_13 = tpu.memref_slice %arg2[%dma_start3A_11, %dma_start3A_12] : memref<8192x128xi32, #tpu.memory_space<hbm>> -> memref<8192x128xi32, #tpu.memory_space<hbm>>
    tpu.enqueue_indirect_dma source(%dma_start3A_13 : memref<8192x128xi32, #tpu.memory_space<hbm>>) target(%dma_start3A_7 : memref<128x128xi32, #tpu.memory_space<vmem>>) offsets(%dma_start3A_10 : memref<128xi32, #tpu.memory_space<vmem>>) semaphore(%arg9 : memref<!tpu.dma_semaphore, #tpu.memory_space<semaphore_mem>>)
    %dma_start3A_14 = arith.constant 1 : i32
    %dma_start3A_15 = arith.constant 128 : i32
    %dma_start3A_16 = arith.constant 0 : i32
    %dma_start3A_17 = tpu.memref_slice %arg6[%dma_start3A_15, %dma_start3A_16] : memref<256x128xi32, #tpu.memory_space<vmem>> -> memref<128x128xi32, #tpu.memory_space<vmem>>
    %dma_start3A_18 = arith.constant 0 : i32
    %dma_start3A_19 = tpu.memref_slice %arg5[%dma_start3A_14, %dma_start3A_18] : memref<64x128xi32, #tpu.memory_space<vmem>> -> memref<1x128xi32, #tpu.memory_space<vmem>>
    %dma_start3A_20 = tpu.memref_squeeze %dma_start3A_19 : memref<1x128xi32, #tpu.memory_space<vmem>> -> memref<128xi32, #tpu.memory_space<vmem>>
    %dma_start3A_21 = arith.constant 0 : i32
    %dma_start3A_22 = arith.constant 0 : i32
    %dma_start3A_23 = tpu.memref_slice %arg2[%dma_start3A_21, %dma_start3A_22] : memref<8192x128xi32, #tpu.memory_space<hbm>> -> memref<8192x128xi32, #tpu.memory_space<hbm>>
    tpu.enqueue_indirect_dma source(%dma_start3A_23 : memref<8192x128xi32, #tpu.memory_space<hbm>>) target(%dma_start3A_17 : memref<128x128xi32, #tpu.memory_space<vmem>>) offsets(%dma_start3A_20 : memref<128xi32, #tpu.memory_space<vmem>>) semaphore(%arg9 : memref<!tpu.dma_semaphore, #tpu.memory_space<semaphore_mem>>)
    %dma_start3A_24 = arith.constant 2 : i32
    %dma_start3A_25 = arith.constant 0 : i32
    %dma_start3A_26 = arith.constant 0 : i32
    %dma_start3A_27 = tpu.memref_slice %arg7[%dma_start3A_25, %dma_start3A_26] : memref<256x128xi32, #tpu.memory_space<vmem>> -> memref<128x128xi32, #tpu.memory_space<vmem>>
    %dma_start3A_28 = arith.constant 0 : i32
    %dma_start3A_29 = tpu.memref_slice %arg5[%dma_start3A_24, %dma_start3A_28] : memref<64x128xi32, #tpu.memory_space<vmem>> -> memref<1x128xi32, #tpu.memory_space<vmem>>
    %dma_start3A_30 = tpu.memref_squeeze %dma_start3A_29 : memref<1x128xi32, #tpu.memory_space<vmem>> -> memref<128xi32, #tpu.memory_space<vmem>>
    %dma_start3A_31 = arith.constant 0 : i32
    %dma_start3A_32 = arith.constant 0 : i32
    %dma_start3A_33 = tpu.memref_slice %arg2[%dma_start3A_31, %dma_start3A_32] : memref<8192x128xi32, #tpu.memory_space<hbm>> -> memref<8192x128xi32, #tpu.memory_space<hbm>>
    tpu.enqueue_indirect_dma source(%dma_start3A_33 : memref<8192x128xi32, #tpu.memory_space<hbm>>) target(%dma_start3A_27 : memref<128x128xi32, #tpu.memory_space<vmem>>) offsets(%dma_start3A_30 : memref<128xi32, #tpu.memory_space<vmem>>) semaphore(%arg10 : memref<!tpu.dma_semaphore, #tpu.memory_space<semaphore_mem>>)
    %dma_start3A_34 = arith.constant 3 : i32
    %dma_start3A_35 = arith.constant 128 : i32
    %dma_start3A_36 = arith.constant 0 : i32
    %dma_start3A_37 = tpu.memref_slice %arg7[%dma_start3A_35, %dma_start3A_36] : memref<256x128xi32, #tpu.memory_space<vmem>> -> memref<128x128xi32, #tpu.memory_space<vmem>>
    %dma_start3A_38 = arith.constant 0 : i32
    %dma_start3A_39 = tpu.memref_slice %arg5[%dma_start3A_34, %dma_start3A_38] : memref<64x128xi32, #tpu.memory_space<vmem>> -> memref<1x128xi32, #tpu.memory_space<vmem>>
    %dma_start3A_40 = tpu.memref_squeeze %dma_start3A_39 : memref<1x128xi32, #tpu.memory_space<vmem>> -> memref<128xi32, #tpu.memory_space<vmem>>
    %dma_start3A_41 = arith.constant 0 : i32
    %dma_start3A_42 = arith.constant 0 : i32
    %dma_start3A_43 = tpu.memref_slice %arg2[%dma_start3A_41, %dma_start3A_42] : memref<8192x128xi32, #tpu.memory_space<hbm>> -> memref<8192x128xi32, #tpu.memory_space<hbm>>
    tpu.enqueue_indirect_dma source(%dma_start3A_43 : memref<8192x128xi32, #tpu.memory_space<hbm>>) target(%dma_start3A_37 : memref<128x128xi32, #tpu.memory_space<vmem>>) offsets(%dma_start3A_40 : memref<128xi32, #tpu.memory_space<vmem>>) semaphore(%arg10 : memref<!tpu.dma_semaphore, #tpu.memory_space<semaphore_mem>>)
    %scan3A = arith.constant 0 : i32
    %scan3A_44 = arith.constant 0 : i32
    %scan3A_45 = arith.constant 32 : i32
    %scan3A_46 = arith.addi %scan3A_44, %scan3A_45 : i32
    %scan3A_47 = arith.constant 1 : i32
    scf.for %scan3A_56 = %scan3A_44 to %scan3A_46 step %scan3A_47  : i32 {
      %rem3A = arith.constant 3 : i32
      %rem3A_57 = arith.remsi %scan3A_56, %rem3A : i32
      %eq3A = arith.constant 0 : i32
      %eq3A_58 = arith.cmpi eq, %rem3A_57, %eq3A : i32
      %convert_element_type3A = arith.extui %eq3A_58 : i1 to i32
      %cond3A = arith.constant 0 : i32
      %cond3A_59 = arith.cmpi ne, %convert_element_type3A, %cond3A : i32
      scf.if %cond3A_59 {
        %mul3A_70 = arith.constant 2 : i32
        %mul3A_71 = arith.muli %scan3A_56, %mul3A_70 : i32
        %add3A_72 = arith.constant 0 : i32
        %add3A_73 = arith.addi %mul3A_71, %add3A_72 : i32
        %mul3A_74 = arith.constant 2 : i32
        %mul3A_75 = arith.muli %scan3A_56, %mul3A_74 : i32
        %add3A_76 = arith.constant 1 : i32
        %add3A_77 = arith.addi %mul3A_75, %add3A_76 : i32
        %dma_wait3A_78 = arith.constant 0 : i32
        %dma_wait3A_79 = arith.constant 0 : i32
        %dma_wait3A_80 = tpu.memref_slice %arg6[%dma_wait3A_78, %dma_wait3A_79] : memref<256x128xi32, #tpu.memory_space<vmem>> -> memref<128x128xi32, #tpu.memory_space<vmem>>
        %dma_wait3A_81 = arith.constant 0 : i32
        %dma_wait3A_82 = tpu.memref_slice %arg5[%add3A_73, %dma_wait3A_81] : memref<64x128xi32, #tpu.memory_space<vmem>> -> memref<1x128xi32, #tpu.memory_space<vmem>>
        %dma_wait3A_83 = tpu.memref_squeeze %dma_wait3A_82 : memref<1x128xi32, #tpu.memory_space<vmem>> -> memref<128xi32, #tpu.memory_space<vmem>>
        %dma_wait3A_84 = arith.constant 0 : i32
        %dma_wait3A_85 = arith.constant 0 : i32
        %dma_wait3A_86 = tpu.memref_slice %arg2[%dma_wait3A_84, %dma_wait3A_85] : memref<8192x128xi32, #tpu.memory_space<hbm>> -> memref<8192x128xi32, #tpu.memory_space<hbm>>
        tpu.wait_indirect_dma semaphore(%arg9 : memref<!tpu.dma_semaphore, #tpu.memory_space<semaphore_mem>>) src(%dma_wait3A_86 : memref<8192x128xi32, #tpu.memory_space<hbm>>) dst(%dma_wait3A_80 : memref<128x128xi32, #tpu.memory_space<vmem>>)
        %dma_wait3A_87 = arith.constant 128 : i32
        %dma_wait3A_88 = arith.constant 0 : i32
        %dma_wait3A_89 = tpu.memref_slice %arg6[%dma_wait3A_87, %dma_wait3A_88] : memref<256x128xi32, #tpu.memory_space<vmem>> -> memref<128x128xi32, #tpu.memory_space<vmem>>
        %dma_wait3A_90 = arith.constant 0 : i32
        %dma_wait3A_91 = tpu.memref_slice %arg5[%add3A_77, %dma_wait3A_90] : memref<64x128xi32, #tpu.memory_space<vmem>> -> memref<1x128xi32, #tpu.memory_space<vmem>>
        %dma_wait3A_92 = tpu.memref_squeeze %dma_wait3A_91 : memref<1x128xi32, #tpu.memory_space<vmem>> -> memref<128xi32, #tpu.memory_space<vmem>>
        %dma_wait3A_93 = arith.constant 0 : i32
        %dma_wait3A_94 = arith.constant 0 : i32
        %dma_wait3A_95 = tpu.memref_slice %arg2[%dma_wait3A_93, %dma_wait3A_94] : memref<8192x128xi32, #tpu.memory_space<hbm>> -> memref<8192x128xi32, #tpu.memory_space<hbm>>
        tpu.wait_indirect_dma semaphore(%arg9 : memref<!tpu.dma_semaphore, #tpu.memory_space<semaphore_mem>>) src(%dma_wait3A_95 : memref<8192x128xi32, #tpu.memory_space<hbm>>) dst(%dma_wait3A_89 : memref<128x128xi32, #tpu.memory_space<vmem>>)
        %mul3A_96 = arith.constant 8 : i32
        %mul3A_97 = arith.muli %scan3A_56, %mul3A_96 : i32
        %add3A_98 = arith.addi %mul3A_2, %mul3A_97 : i32
        %mul3A_99 = arith.constant 32 : i32
        %mul3A_100 = arith.muli %add3A_98, %mul3A_99 : i32
        %dma_start3A_101 = arith.constant 0 : i32
        %dma_start3A_102 = tpu.memref_slice %arg4[%mul3A_100, %dma_start3A_101] : memref<262144x128xi32, #tpu.memory_space<hbm>> -> memref<256x128xi32, #tpu.memory_space<hbm>>
        %dma_start3A_103 = arith.constant 0 : i32
        %dma_start3A_104 = tpu.memref_slice %arg4[%mul3A_100, %dma_start3A_103] : memref<262144x128xi32, #tpu.memory_space<hbm>> -> memref<256x128xi32, #tpu.memory_space<hbm>>
        tpu.enqueue_dma source(%arg6 : memref<256x128xi32, #tpu.memory_space<vmem>>) target(%dma_start3A_104 : memref<256x128xi32, #tpu.memory_space<hbm>>) target_semaphore(%arg12 : memref<!tpu.dma_semaphore, #tpu.memory_space<semaphore_mem>>)
        %ge3A = arith.constant 1 : i32
        %ge3A_105 = arith.cmpi sge, %scan3A_56, %ge3A : i32
        %convert_element_type3A_106 = arith.extui %ge3A_105 : i1 to i32
        %cond3A_107 = arith.constant 0 : i32
        %cond3A_108 = arith.cmpi ne, %convert_element_type3A_106, %cond3A_107 : i32
        scf.if %cond3A_108 {
          %sub3A = arith.constant 1 : i32
          %sub3A_115 = arith.subi %scan3A_56, %sub3A : i32
          %mul3A_116 = arith.constant 8 : i32
          %mul3A_117 = arith.muli %sub3A_115, %mul3A_116 : i32
          %add3A_118 = arith.addi %mul3A_2, %mul3A_117 : i32
          %mul3A_119 = arith.constant 32 : i32
          %mul3A_120 = arith.muli %add3A_118, %mul3A_119 : i32
          %dma_wait3A_121 = arith.constant 0 : i32
          %dma_wait3A_122 = tpu.memref_slice %arg4[%mul3A_120, %dma_wait3A_121] : memref<262144x128xi32, #tpu.memory_space<hbm>> -> memref<256x128xi32, #tpu.memory_space<hbm>>
          %dma_wait3A_123 = arith.constant 0 : i32
          %dma_wait3A_124 = tpu.memref_slice %arg4[%mul3A_120, %dma_wait3A_123] : memref<262144x128xi32, #tpu.memory_space<hbm>> -> memref<256x128xi32, #tpu.memory_space<hbm>>
          tpu.wait_dma2 semaphore(%arg14 : memref<!tpu.dma_semaphore, #tpu.memory_space<semaphore_mem>>) src(%arg8 : memref<256x128xi32, #tpu.memory_space<vmem>>) dst(%dma_wait3A_124 : memref<256x128xi32, #tpu.memory_space<hbm>>)
        } else {
        }
        %add3A_109 = arith.constant 2 : i32
        %add3A_110 = arith.addi %scan3A_56, %add3A_109 : i32
        %lt3A = arith.constant 32 : i32
        %lt3A_111 = arith.cmpi slt, %add3A_110, %lt3A : i32
        %convert_element_type3A_112 = arith.extui %lt3A_111 : i1 to i32
        %cond3A_113 = arith.constant 0 : i32
        %cond3A_114 = arith.cmpi ne, %convert_element_type3A_112, %cond3A_113 : i32
        scf.if %cond3A_114 {
          %add3A_115 = arith.constant 2 : i32
          %add3A_116 = arith.addi %scan3A_56, %add3A_115 : i32
          %mul3A_117 = arith.constant 2 : i32
          %mul3A_118 = arith.muli %add3A_116, %mul3A_117 : i32
          %add3A_119 = arith.constant 0 : i32
          %add3A_120 = arith.addi %mul3A_118, %add3A_119 : i32
          %mul3A_121 = arith.constant 2 : i32
          %mul3A_122 = arith.muli %add3A_116, %mul3A_121 : i32
          %add3A_123 = arith.constant 1 : i32
          %add3A_124 = arith.addi %mul3A_122, %add3A_123 : i32
          %dma_start3A_125 = arith.constant 0 : i32
          %dma_start3A_126 = arith.constant 0 : i32
          %dma_start3A_127 = tpu.memref_slice %arg8[%dma_start3A_125, %dma_start3A_126] : memref<256x128xi32, #tpu.memory_space<vmem>> -> memref<128x128xi32, #tpu.memory_space<vmem>>
          %dma_start3A_128 = arith.constant 0 : i32
          %dma_start3A_129 = tpu.memref_slice %arg5[%add3A_120, %dma_start3A_128] : memref<64x128xi32, #tpu.memory_space<vmem>> -> memref<1x128xi32, #tpu.memory_space<vmem>>
          %dma_start3A_130 = tpu.memref_squeeze %dma_start3A_129 : memref<1x128xi32, #tpu.memory_space<vmem>> -> memref<128xi32, #tpu.memory_space<vmem>>
          %dma_start3A_131 = arith.constant 0 : i32
          %dma_start3A_132 = arith.constant 0 : i32
          %dma_start3A_133 = tpu.memref_slice %arg2[%dma_start3A_131, %dma_start3A_132] : memref<8192x128xi32, #tpu.memory_space<hbm>> -> memref<8192x128xi32, #tpu.memory_space<hbm>>
          tpu.enqueue_indirect_dma source(%dma_start3A_133 : memref<8192x128xi32, #tpu.memory_space<hbm>>) target(%dma_start3A_127 : memref<128x128xi32, #tpu.memory_space<vmem>>) offsets(%dma_start3A_130 : memref<128xi32, #tpu.memory_space<vmem>>) semaphore(%arg11 : memref<!tpu.dma_semaphore, #tpu.memory_space<semaphore_mem>>)
          %dma_start3A_134 = arith.constant 128 : i32
          %dma_start3A_135 = arith.constant 0 : i32
          %dma_start3A_136 = tpu.memref_slice %arg8[%dma_start3A_134, %dma_start3A_135] : memref<256x128xi32, #tpu.memory_space<vmem>> -> memref<128x128xi32, #tpu.memory_space<vmem>>
          %dma_start3A_137 = arith.constant 0 : i32
          %dma_start3A_138 = tpu.memref_slice %arg5[%add3A_124, %dma_start3A_137] : memref<64x128xi32, #tpu.memory_space<vmem>> -> memref<1x128xi32, #tpu.memory_space<vmem>>
          %dma_start3A_139 = tpu.memref_squeeze %dma_start3A_138 : memref<1x128xi32, #tpu.memory_space<vmem>> -> memref<128xi32, #tpu.memory_space<vmem>>
          %dma_start3A_140 = arith.constant 0 : i32
          %dma_start3A_141 = arith.constant 0 : i32
          %dma_start3A_142 = tpu.memref_slice %arg2[%dma_start3A_140, %dma_start3A_141] : memref<8192x128xi32, #tpu.memory_space<hbm>> -> memref<8192x128xi32, #tpu.memory_space<hbm>>
          tpu.enqueue_indirect_dma source(%dma_start3A_142 : memref<8192x128xi32, #tpu.memory_space<hbm>>) target(%dma_start3A_136 : memref<128x128xi32, #tpu.memory_space<vmem>>) offsets(%dma_start3A_139 : memref<128xi32, #tpu.memory_space<vmem>>) semaphore(%arg11 : memref<!tpu.dma_semaphore, #tpu.memory_space<semaphore_mem>>)
        } else {
        }
      } else {
      }
      %eq3A_60 = arith.constant 1 : i32
      %eq3A_61 = arith.cmpi eq, %rem3A_57, %eq3A_60 : i32
      %convert_element_type3A_62 = arith.extui %eq3A_61 : i1 to i32
      %cond3A_63 = arith.constant 0 : i32
      %cond3A_64 = arith.cmpi ne, %convert_element_type3A_62, %cond3A_63 : i32
      scf.if %cond3A_64 {
        %mul3A_70 = arith.constant 2 : i32
        %mul3A_71 = arith.muli %scan3A_56, %mul3A_70 : i32
        %add3A_72 = arith.constant 0 : i32
        %add3A_73 = arith.addi %mul3A_71, %add3A_72 : i32
        %mul3A_74 = arith.constant 2 : i32
        %mul3A_75 = arith.muli %scan3A_56, %mul3A_74 : i32
        %add3A_76 = arith.constant 1 : i32
        %add3A_77 = arith.addi %mul3A_75, %add3A_76 : i32
        %dma_wait3A_78 = arith.constant 0 : i32
        %dma_wait3A_79 = arith.constant 0 : i32
        %dma_wait3A_80 = tpu.memref_slice %arg7[%dma_wait3A_78, %dma_wait3A_79] : memref<256x128xi32, #tpu.memory_space<vmem>> -> memref<128x128xi32, #tpu.memory_space<vmem>>
        %dma_wait3A_81 = arith.constant 0 : i32
        %dma_wait3A_82 = tpu.memref_slice %arg5[%add3A_73, %dma_wait3A_81] : memref<64x128xi32, #tpu.memory_space<vmem>> -> memref<1x128xi32, #tpu.memory_space<vmem>>
        %dma_wait3A_83 = tpu.memref_squeeze %dma_wait3A_82 : memref<1x128xi32, #tpu.memory_space<vmem>> -> memref<128xi32, #tpu.memory_space<vmem>>
        %dma_wait3A_84 = arith.constant 0 : i32
        %dma_wait3A_85 = arith.constant 0 : i32
        %dma_wait3A_86 = tpu.memref_slice %arg2[%dma_wait3A_84, %dma_wait3A_85] : memref<8192x128xi32, #tpu.memory_space<hbm>> -> memref<8192x128xi32, #tpu.memory_space<hbm>>
        tpu.wait_indirect_dma semaphore(%arg10 : memref<!tpu.dma_semaphore, #tpu.memory_space<semaphore_mem>>) src(%dma_wait3A_86 : memref<8192x128xi32, #tpu.memory_space<hbm>>) dst(%dma_wait3A_80 : memref<128x128xi32, #tpu.memory_space<vmem>>)
        %dma_wait3A_87 = arith.constant 128 : i32
        %dma_wait3A_88 = arith.constant 0 : i32
        %dma_wait3A_89 = tpu.memref_slice %arg7[%dma_wait3A_87, %dma_wait3A_88] : memref<256x128xi32, #tpu.memory_space<vmem>> -> memref<128x128xi32, #tpu.memory_space<vmem>>
        %dma_wait3A_90 = arith.constant 0 : i32
        %dma_wait3A_91 = tpu.memref_slice %arg5[%add3A_77, %dma_wait3A_90] : memref<64x128xi32, #tpu.memory_space<vmem>> -> memref<1x128xi32, #tpu.memory_space<vmem>>
        %dma_wait3A_92 = tpu.memref_squeeze %dma_wait3A_91 : memref<1x128xi32, #tpu.memory_space<vmem>> -> memref<128xi32, #tpu.memory_space<vmem>>
        %dma_wait3A_93 = arith.constant 0 : i32
        %dma_wait3A_94 = arith.constant 0 : i32
        %dma_wait3A_95 = tpu.memref_slice %arg2[%dma_wait3A_93, %dma_wait3A_94] : memref<8192x128xi32, #tpu.memory_space<hbm>> -> memref<8192x128xi32, #tpu.memory_space<hbm>>
        tpu.wait_indirect_dma semaphore(%arg10 : memref<!tpu.dma_semaphore, #tpu.memory_space<semaphore_mem>>) src(%dma_wait3A_95 : memref<8192x128xi32, #tpu.memory_space<hbm>>) dst(%dma_wait3A_89 : memref<128x128xi32, #tpu.memory_space<vmem>>)
        %mul3A_96 = arith.constant 8 : i32
        %mul3A_97 = arith.muli %scan3A_56, %mul3A_96 : i32
        %add3A_98 = arith.addi %mul3A_2, %mul3A_97 : i32
        %mul3A_99 = arith.constant 32 : i32
        %mul3A_100 = arith.muli %add3A_98, %mul3A_99 : i32
        %dma_start3A_101 = arith.constant 0 : i32
        %dma_start3A_102 = tpu.memref_slice %arg4[%mul3A_100, %dma_start3A_101] : memref<262144x128xi32, #tpu.memory_space<hbm>> -> memref<256x128xi32, #tpu.memory_space<hbm>>
        %dma_start3A_103 = arith.constant 0 : i32
        %dma_start3A_104 = tpu.memref_slice %arg4[%mul3A_100, %dma_start3A_103] : memref<262144x128xi32, #tpu.memory_space<hbm>> -> memref<256x128xi32, #tpu.memory_space<hbm>>
        tpu.enqueue_dma source(%arg7 : memref<256x128xi32, #tpu.memory_space<vmem>>) target(%dma_start3A_104 : memref<256x128xi32, #tpu.memory_space<hbm>>) target_semaphore(%arg13 : memref<!tpu.dma_semaphore, #tpu.memory_space<semaphore_mem>>)
        %ge3A = arith.constant 1 : i32
        %ge3A_105 = arith.cmpi sge, %scan3A_56, %ge3A : i32
        %convert_element_type3A_106 = arith.extui %ge3A_105 : i1 to i32
        %cond3A_107 = arith.constant 0 : i32
        %cond3A_108 = arith.cmpi ne, %convert_element_type3A_106, %cond3A_107 : i32
        scf.if %cond3A_108 {
          %sub3A = arith.constant 1 : i32
          %sub3A_115 = arith.subi %scan3A_56, %sub3A : i32
          %mul3A_116 = arith.constant 8 : i32
          %mul3A_117 = arith.muli %sub3A_115, %mul3A_116 : i32
          %add3A_118 = arith.addi %mul3A_2, %mul3A_117 : i32
          %mul3A_119 = arith.constant 32 : i32
          %mul3A_120 = arith.muli %add3A_118, %mul3A_119 : i32
          %dma_wait3A_121 = arith.constant 0 : i32
          %dma_wait3A_122 = tpu.memref_slice %arg4[%mul3A_120, %dma_wait3A_121] : memref<262144x128xi32, #tpu.memory_space<hbm>> -> memref<256x128xi32, #tpu.memory_space<hbm>>
          %dma_wait3A_123 = arith.constant 0 : i32
          %dma_wait3A_124 = tpu.memref_slice %arg4[%mul3A_120, %dma_wait3A_123] : memref<262144x128xi32, #tpu.memory_space<hbm>> -> memref<256x128xi32, #tpu.memory_space<hbm>>
          tpu.wait_dma2 semaphore(%arg12 : memref<!tpu.dma_semaphore, #tpu.memory_space<semaphore_mem>>) src(%arg6 : memref<256x128xi32, #tpu.memory_space<vmem>>) dst(%dma_wait3A_124 : memref<256x128xi32, #tpu.memory_space<hbm>>)
        } else {
        }
        %add3A_109 = arith.constant 2 : i32
        %add3A_110 = arith.addi %scan3A_56, %add3A_109 : i32
        %lt3A = arith.constant 32 : i32
        %lt3A_111 = arith.cmpi slt, %add3A_110, %lt3A : i32
        %convert_element_type3A_112 = arith.extui %lt3A_111 : i1 to i32
        %cond3A_113 = arith.constant 0 : i32
        %cond3A_114 = arith.cmpi ne, %convert_element_type3A_112, %cond3A_113 : i32
        scf.if %cond3A_114 {
          %add3A_115 = arith.constant 2 : i32
          %add3A_116 = arith.addi %scan3A_56, %add3A_115 : i32
          %mul3A_117 = arith.constant 2 : i32
          %mul3A_118 = arith.muli %add3A_116, %mul3A_117 : i32
          %add3A_119 = arith.constant 0 : i32
          %add3A_120 = arith.addi %mul3A_118, %add3A_119 : i32
          %mul3A_121 = arith.constant 2 : i32
          %mul3A_122 = arith.muli %add3A_116, %mul3A_121 : i32
          %add3A_123 = arith.constant 1 : i32
          %add3A_124 = arith.addi %mul3A_122, %add3A_123 : i32
          %dma_start3A_125 = arith.constant 0 : i32
          %dma_start3A_126 = arith.constant 0 : i32
          %dma_start3A_127 = tpu.memref_slice %arg6[%dma_start3A_125, %dma_start3A_126] : memref<256x128xi32, #tpu.memory_space<vmem>> -> memref<128x128xi32, #tpu.memory_space<vmem>>
          %dma_start3A_128 = arith.constant 0 : i32
          %dma_start3A_129 = tpu.memref_slice %arg5[%add3A_120, %dma_start3A_128] : memref<64x128xi32, #tpu.memory_space<vmem>> -> memref<1x128xi32, #tpu.memory_space<vmem>>
          %dma_start3A_130 = tpu.memref_squeeze %dma_start3A_129 : memref<1x128xi32, #tpu.memory_space<vmem>> -> memref<128xi32, #tpu.memory_space<vmem>>
          %dma_start3A_131 = arith.constant 0 : i32
          %dma_start3A_132 = arith.constant 0 : i32
          %dma_start3A_133 = tpu.memref_slice %arg2[%dma_start3A_131, %dma_start3A_132] : memref<8192x128xi32, #tpu.memory_space<hbm>> -> memref<8192x128xi32, #tpu.memory_space<hbm>>
          tpu.enqueue_indirect_dma source(%dma_start3A_133 : memref<8192x128xi32, #tpu.memory_space<hbm>>) target(%dma_start3A_127 : memref<128x128xi32, #tpu.memory_space<vmem>>) offsets(%dma_start3A_130 : memref<128xi32, #tpu.memory_space<vmem>>) semaphore(%arg9 : memref<!tpu.dma_semaphore, #tpu.memory_space<semaphore_mem>>)
          %dma_start3A_134 = arith.constant 128 : i32
          %dma_start3A_135 = arith.constant 0 : i32
          %dma_start3A_136 = tpu.memref_slice %arg6[%dma_start3A_134, %dma_start3A_135] : memref<256x128xi32, #tpu.memory_space<vmem>> -> memref<128x128xi32, #tpu.memory_space<vmem>>
          %dma_start3A_137 = arith.constant 0 : i32
          %dma_start3A_138 = tpu.memref_slice %arg5[%add3A_124, %dma_start3A_137] : memref<64x128xi32, #tpu.memory_space<vmem>> -> memref<1x128xi32, #tpu.memory_space<vmem>>
          %dma_start3A_139 = tpu.memref_squeeze %dma_start3A_138 : memref<1x128xi32, #tpu.memory_space<vmem>> -> memref<128xi32, #tpu.memory_space<vmem>>
          %dma_start3A_140 = arith.constant 0 : i32
          %dma_start3A_141 = arith.constant 0 : i32
          %dma_start3A_142 = tpu.memref_slice %arg2[%dma_start3A_140, %dma_start3A_141] : memref<8192x128xi32, #tpu.memory_space<hbm>> -> memref<8192x128xi32, #tpu.memory_space<hbm>>
          tpu.enqueue_indirect_dma source(%dma_start3A_142 : memref<8192x128xi32, #tpu.memory_space<hbm>>) target(%dma_start3A_136 : memref<128x128xi32, #tpu.memory_space<vmem>>) offsets(%dma_start3A_139 : memref<128xi32, #tpu.memory_space<vmem>>) semaphore(%arg9 : memref<!tpu.dma_semaphore, #tpu.memory_space<semaphore_mem>>)
        } else {
        }
      } else {
      }
      %eq3A_65 = arith.constant 2 : i32
      %eq3A_66 = arith.cmpi eq, %rem3A_57, %eq3A_65 : i32
      %convert_element_type3A_67 = arith.extui %eq3A_66 : i1 to i32
      %cond3A_68 = arith.constant 0 : i32
      %cond3A_69 = arith.cmpi ne, %convert_element_type3A_67, %cond3A_68 : i32
      scf.if %cond3A_69 {
        %mul3A_70 = arith.constant 2 : i32
        %mul3A_71 = arith.muli %scan3A_56, %mul3A_70 : i32
        %add3A_72 = arith.constant 0 : i32
        %add3A_73 = arith.addi %mul3A_71, %add3A_72 : i32
        %mul3A_74 = arith.constant 2 : i32
        %mul3A_75 = arith.muli %scan3A_56, %mul3A_74 : i32
        %add3A_76 = arith.constant 1 : i32
        %add3A_77 = arith.addi %mul3A_75, %add3A_76 : i32
        %dma_wait3A_78 = arith.constant 0 : i32
        %dma_wait3A_79 = arith.constant 0 : i32
        %dma_wait3A_80 = tpu.memref_slice %arg8[%dma_wait3A_78, %dma_wait3A_79] : memref<256x128xi32, #tpu.memory_space<vmem>> -> memref<128x128xi32, #tpu.memory_space<vmem>>
        %dma_wait3A_81 = arith.constant 0 : i32
        %dma_wait3A_82 = tpu.memref_slice %arg5[%add3A_73, %dma_wait3A_81] : memref<64x128xi32, #tpu.memory_space<vmem>> -> memref<1x128xi32, #tpu.memory_space<vmem>>
        %dma_wait3A_83 = tpu.memref_squeeze %dma_wait3A_82 : memref<1x128xi32, #tpu.memory_space<vmem>> -> memref<128xi32, #tpu.memory_space<vmem>>
        %dma_wait3A_84 = arith.constant 0 : i32
        %dma_wait3A_85 = arith.constant 0 : i32
        %dma_wait3A_86 = tpu.memref_slice %arg2[%dma_wait3A_84, %dma_wait3A_85] : memref<8192x128xi32, #tpu.memory_space<hbm>> -> memref<8192x128xi32, #tpu.memory_space<hbm>>
        tpu.wait_indirect_dma semaphore(%arg11 : memref<!tpu.dma_semaphore, #tpu.memory_space<semaphore_mem>>) src(%dma_wait3A_86 : memref<8192x128xi32, #tpu.memory_space<hbm>>) dst(%dma_wait3A_80 : memref<128x128xi32, #tpu.memory_space<vmem>>)
        %dma_wait3A_87 = arith.constant 128 : i32
        %dma_wait3A_88 = arith.constant 0 : i32
        %dma_wait3A_89 = tpu.memref_slice %arg8[%dma_wait3A_87, %dma_wait3A_88] : memref<256x128xi32, #tpu.memory_space<vmem>> -> memref<128x128xi32, #tpu.memory_space<vmem>>
        %dma_wait3A_90 = arith.constant 0 : i32
        %dma_wait3A_91 = tpu.memref_slice %arg5[%add3A_77, %dma_wait3A_90] : memref<64x128xi32, #tpu.memory_space<vmem>> -> memref<1x128xi32, #tpu.memory_space<vmem>>
        %dma_wait3A_92 = tpu.memref_squeeze %dma_wait3A_91 : memref<1x128xi32, #tpu.memory_space<vmem>> -> memref<128xi32, #tpu.memory_space<vmem>>
        %dma_wait3A_93 = arith.constant 0 : i32
        %dma_wait3A_94 = arith.constant 0 : i32
        %dma_wait3A_95 = tpu.memref_slice %arg2[%dma_wait3A_93, %dma_wait3A_94] : memref<8192x128xi32, #tpu.memory_space<hbm>> -> memref<8192x128xi32, #tpu.memory_space<hbm>>
        tpu.wait_indirect_dma semaphore(%arg11 : memref<!tpu.dma_semaphore, #tpu.memory_space<semaphore_mem>>) src(%dma_wait3A_95 : memref<8192x128xi32, #tpu.memory_space<hbm>>) dst(%dma_wait3A_89 : memref<128x128xi32, #tpu.memory_space<vmem>>)
        %mul3A_96 = arith.constant 8 : i32
        %mul3A_97 = arith.muli %scan3A_56, %mul3A_96 : i32
        %add3A_98 = arith.addi %mul3A_2, %mul3A_97 : i32
        %mul3A_99 = arith.constant 32 : i32
        %mul3A_100 = arith.muli %add3A_98, %mul3A_99 : i32
        %dma_start3A_101 = arith.constant 0 : i32
        %dma_start3A_102 = tpu.memref_slice %arg4[%mul3A_100, %dma_start3A_101] : memref<262144x128xi32, #tpu.memory_space<hbm>> -> memref<256x128xi32, #tpu.memory_space<hbm>>
        %dma_start3A_103 = arith.constant 0 : i32
        %dma_start3A_104 = tpu.memref_slice %arg4[%mul3A_100, %dma_start3A_103] : memref<262144x128xi32, #tpu.memory_space<hbm>> -> memref<256x128xi32, #tpu.memory_space<hbm>>
        tpu.enqueue_dma source(%arg8 : memref<256x128xi32, #tpu.memory_space<vmem>>) target(%dma_start3A_104 : memref<256x128xi32, #tpu.memory_space<hbm>>) target_semaphore(%arg14 : memref<!tpu.dma_semaphore, #tpu.memory_space<semaphore_mem>>)
        %ge3A = arith.constant 1 : i32
        %ge3A_105 = arith.cmpi sge, %scan3A_56, %ge3A : i32
        %convert_element_type3A_106 = arith.extui %ge3A_105 : i1 to i32
        %cond3A_107 = arith.constant 0 : i32
        %cond3A_108 = arith.cmpi ne, %convert_element_type3A_106, %cond3A_107 : i32
        scf.if %cond3A_108 {
          %sub3A = arith.constant 1 : i32
          %sub3A_115 = arith.subi %scan3A_56, %sub3A : i32
          %mul3A_116 = arith.constant 8 : i32
          %mul3A_117 = arith.muli %sub3A_115, %mul3A_116 : i32
          %add3A_118 = arith.addi %mul3A_2, %mul3A_117 : i32
          %mul3A_119 = arith.constant 32 : i32
          %mul3A_120 = arith.muli %add3A_118, %mul3A_119 : i32
          %dma_wait3A_121 = arith.constant 0 : i32
          %dma_wait3A_122 = tpu.memref_slice %arg4[%mul3A_120, %dma_wait3A_121] : memref<262144x128xi32, #tpu.memory_space<hbm>> -> memref<256x128xi32, #tpu.memory_space<hbm>>
          %dma_wait3A_123 = arith.constant 0 : i32
          %dma_wait3A_124 = tpu.memref_slice %arg4[%mul3A_120, %dma_wait3A_123] : memref<262144x128xi32, #tpu.memory_space<hbm>> -> memref<256x128xi32, #tpu.memory_space<hbm>>
          tpu.wait_dma2 semaphore(%arg13 : memref<!tpu.dma_semaphore, #tpu.memory_space<semaphore_mem>>) src(%arg7 : memref<256x128xi32, #tpu.memory_space<vmem>>) dst(%dma_wait3A_124 : memref<256x128xi32, #tpu.memory_space<hbm>>)
        } else {
        }
        %add3A_109 = arith.constant 2 : i32
        %add3A_110 = arith.addi %scan3A_56, %add3A_109 : i32
        %lt3A = arith.constant 32 : i32
        %lt3A_111 = arith.cmpi slt, %add3A_110, %lt3A : i32
        %convert_element_type3A_112 = arith.extui %lt3A_111 : i1 to i32
        %cond3A_113 = arith.constant 0 : i32
        %cond3A_114 = arith.cmpi ne, %convert_element_type3A_112, %cond3A_113 : i32
        scf.if %cond3A_114 {
          %add3A_115 = arith.constant 2 : i32
          %add3A_116 = arith.addi %scan3A_56, %add3A_115 : i32
          %mul3A_117 = arith.constant 2 : i32
          %mul3A_118 = arith.muli %add3A_116, %mul3A_117 : i32
          %add3A_119 = arith.constant 0 : i32
          %add3A_120 = arith.addi %mul3A_118, %add3A_119 : i32
          %mul3A_121 = arith.constant 2 : i32
          %mul3A_122 = arith.muli %add3A_116, %mul3A_121 : i32
          %add3A_123 = arith.constant 1 : i32
          %add3A_124 = arith.addi %mul3A_122, %add3A_123 : i32
          %dma_start3A_125 = arith.constant 0 : i32
          %dma_start3A_126 = arith.constant 0 : i32
          %dma_start3A_127 = tpu.memref_slice %arg7[%dma_start3A_125, %dma_start3A_126] : memref<256x128xi32, #tpu.memory_space<vmem>> -> memref<128x128xi32, #tpu.memory_space<vmem>>
          %dma_start3A_128 = arith.constant 0 : i32
          %dma_start3A_129 = tpu.memref_slice %arg5[%add3A_120, %dma_start3A_128] : memref<64x128xi32, #tpu.memory_space<vmem>> -> memref<1x128xi32, #tpu.memory_space<vmem>>
          %dma_start3A_130 = tpu.memref_squeeze %dma_start3A_129 : memref<1x128xi32, #tpu.memory_space<vmem>> -> memref<128xi32, #tpu.memory_space<vmem>>
          %dma_start3A_131 = arith.constant 0 : i32
          %dma_start3A_132 = arith.constant 0 : i32
          %dma_start3A_133 = tpu.memref_slice %arg2[%dma_start3A_131, %dma_start3A_132] : memref<8192x128xi32, #tpu.memory_space<hbm>> -> memref<8192x128xi32, #tpu.memory_space<hbm>>
          tpu.enqueue_indirect_dma source(%dma_start3A_133 : memref<8192x128xi32, #tpu.memory_space<hbm>>) target(%dma_start3A_127 : memref<128x128xi32, #tpu.memory_space<vmem>>) offsets(%dma_start3A_130 : memref<128xi32, #tpu.memory_space<vmem>>) semaphore(%arg10 : memref<!tpu.dma_semaphore, #tpu.memory_space<semaphore_mem>>)
          %dma_start3A_134 = arith.constant 128 : i32
          %dma_start3A_135 = arith.constant 0 : i32
          %dma_start3A_136 = tpu.memref_slice %arg7[%dma_start3A_134, %dma_start3A_135] : memref<256x128xi32, #tpu.memory_space<vmem>> -> memref<128x128xi32, #tpu.memory_space<vmem>>
          %dma_start3A_137 = arith.constant 0 : i32
          %dma_start3A_138 = tpu.memref_slice %arg5[%add3A_124, %dma_start3A_137] : memref<64x128xi32, #tpu.memory_space<vmem>> -> memref<1x128xi32, #tpu.memory_space<vmem>>
          %dma_start3A_139 = tpu.memref_squeeze %dma_start3A_138 : memref<1x128xi32, #tpu.memory_space<vmem>> -> memref<128xi32, #tpu.memory_space<vmem>>
          %dma_start3A_140 = arith.constant 0 : i32
          %dma_start3A_141 = arith.constant 0 : i32
          %dma_start3A_142 = tpu.memref_slice %arg2[%dma_start3A_140, %dma_start3A_141] : memref<8192x128xi32, #tpu.memory_space<hbm>> -> memref<8192x128xi32, #tpu.memory_space<hbm>>
          tpu.enqueue_indirect_dma source(%dma_start3A_142 : memref<8192x128xi32, #tpu.memory_space<hbm>>) target(%dma_start3A_136 : memref<128x128xi32, #tpu.memory_space<vmem>>) offsets(%dma_start3A_139 : memref<128xi32, #tpu.memory_space<vmem>>) semaphore(%arg10 : memref<!tpu.dma_semaphore, #tpu.memory_space<semaphore_mem>>)
        } else {
        }
      } else {
      }
    }
    %scan3A_48 = arith.constant 32 : i32
    %add3A_49 = arith.constant 248 : i32
    %add3A_50 = arith.addi %mul3A_2, %add3A_49 : i32
    %mul3A_51 = arith.constant 32 : i32
    %mul3A_52 = arith.muli %add3A_50, %mul3A_51 : i32
    %dma_wait3A = arith.constant 0 : i32
    %dma_wait3A_53 = tpu.memref_slice %arg4[%mul3A_52, %dma_wait3A] : memref<262144x128xi32, #tpu.memory_space<hbm>> -> memref<256x128xi32, #tpu.memory_space<hbm>>
    %dma_wait3A_54 = arith.constant 0 : i32
    %dma_wait3A_55 = tpu.memref_slice %arg4[%mul3A_52, %dma_wait3A_54] : memref<262144x128xi32, #tpu.memory_space<hbm>> -> memref<256x128xi32, #tpu.memory_space<hbm>>
    tpu.wait_dma2 semaphore(%arg13 : memref<!tpu.dma_semaphore, #tpu.memory_space<semaphore_mem>>) src(%arg7 : memref<256x128xi32, #tpu.memory_space<vmem>>) dst(%dma_wait3A_55 : memref<256x128xi32, #tpu.memory_space<hbm>>)
    return
  }
}

module attributes {stable_mosaic.version = 14 : i64} {
  func.func @_kv_body(%arg0: i32, %arg1: memref<1024x128xf32, #tpu.memory_space<vmem>>, %arg2: memref<128x128xf32, #tpu.memory_space<vmem>>, %arg3: memref<128x128xf32, #tpu.memory_space<vmem>>, %arg4: memref<1024x128xi32, #tpu.memory_space<vmem>>) attributes {dimension_semantics = [#tpu.dimension_semantics<arbitrary>], iteration_bounds = array<i64: 8>, scalar_prefetch = 0 : i64, scratch_operands = 0 : i64, tpu.core_type = #tpu.core_type<tc>, window_params = [{transform_indices = @transform_0, window_bounds = array<i64: 1024, 128>}, {pipeline_mode = #tpu.pipeline_mode<synchronous>, transform_indices = @transform_1, window_bounds = array<i64: 128, 128>}, {pipeline_mode = #tpu.pipeline_mode<synchronous>, transform_indices = @transform_2, window_bounds = array<i64: 128, 128>}, {transform_indices = @transform_3, window_bounds = array<i64: 1024, 128>}]} {
    %get3A = arith.constant 0 : index
    %get3A_0 = arith.constant 0 : index
    %get3A_1 = vector.load %arg1[%get3A, %get3A_0] : memref<1024x128xf32, #tpu.memory_space<vmem>>, vector<1024x128xf32>
    %get3A_2 = arith.constant 0 : index
    %get3A_3 = arith.constant 0 : index
    %get3A_4 = vector.load %arg2[%get3A_2, %get3A_3] : memref<128x128xf32, #tpu.memory_space<vmem>>, vector<128x128xf32>
    %dot_general3A = arith.constant dense<0.000000e+00> : vector<1024x128xf32>
    %dot_general3A_5 = tpu.matmul %get3A_1, %get3A_4, %dot_general3A {dimension_numbers = #tpu.dot_dimension_numbers<[1], [0], [0], [1], [0, 0, 1, 1], [], []>, transpose_lhs_hint = false} : vector<1024x128xf32>, vector<128x128xf32>, vector<1024x128xf32> -> vector<1024x128xf32>
    %get3A_6 = arith.constant 0 : index
    %get3A_7 = arith.constant 0 : index
    %get3A_8 = vector.load %arg3[%get3A_6, %get3A_7] : memref<128x128xf32, #tpu.memory_space<vmem>>, vector<128x128xf32>
    %dot_general3A_9 = arith.constant dense<0.000000e+00> : vector<1024x128xf32>
    %dot_general3A_10 = tpu.matmul %get3A_1, %get3A_8, %dot_general3A_9 {dimension_numbers = #tpu.dot_dimension_numbers<[1], [0], [0], [1], [0, 0, 1, 1], [], []>, transpose_lhs_hint = false} : vector<1024x128xf32>, vector<128x128xf32>, vector<1024x128xf32> -> vector<1024x128xf32>
    %convert_element_type3A = arith.truncf %dot_general3A_5 : vector<1024x128xf32> to vector<1024x128xbf16>
    %bitcast_convert_type3A = tpu.bitcast %convert_element_type3A : vector<1024x128xbf16> -> vector<1024x128xi16>
    %convert_element_type3A_11 = arith.extsi %bitcast_convert_type3A : vector<1024x128xi16> to vector<1024x128xi32>
    %convert_element_type3A_12 = arith.truncf %dot_general3A_10 : vector<1024x128xf32> to vector<1024x128xbf16>
    %bitcast_convert_type3A_13 = tpu.bitcast %convert_element_type3A_12 : vector<1024x128xbf16> -> vector<1024x128xi16>
    %convert_element_type3A_14 = arith.extsi %bitcast_convert_type3A_13 : vector<1024x128xi16> to vector<1024x128xi32>
    %and3A = arith.constant 65535 : i32
    %and3A_15 = vector.broadcast %and3A : i32 to vector<1024x128xi32>
    %and3A_16 = arith.andi %convert_element_type3A_11, %and3A_15 : vector<1024x128xi32>
    %shift_left3A = arith.constant 16 : i32
    %shift_left3A_17 = vector.broadcast %shift_left3A : i32 to vector<1024x128xi32>
    %shift_left3A_18 = arith.shli %convert_element_type3A_14, %shift_left3A_17 : vector<1024x128xi32>
    %or3A = arith.ori %and3A_16, %shift_left3A_18 : vector<1024x128xi32>
    %swap3A = arith.constant 0 : index
    %swap3A_19 = arith.constant 0 : index
    %swap3A_20 = vector.load %arg4[%swap3A, %swap3A_19] : memref<1024x128xi32, #tpu.memory_space<vmem>>, vector<1024x128xi32>
    tpu.vector_store %arg4[%swap3A, %swap3A_19], %or3A {strides = array<i32>} : memref<1024x128xi32, #tpu.memory_space<vmem>>, vector<1024x128xi32>,
    return
  }
  func.func @transform_0(%arg0: i32) -> (i32, i32) {
    %c0_i32 = arith.constant 0 : i32
    %c0_i32_0 = arith.constant 0 : i32
    return %arg0, %c0_i32 : i32, i32
  }
  func.func @transform_1(%arg0: i32) -> (i32, i32) {
    %c0_i32 = arith.constant 0 : i32
    %c0_i32_0 = arith.constant 0 : i32
    %c0_i32_1 = arith.constant 0 : i32
    return %c0_i32, %c0_i32_0 : i32, i32
  }
  func.func @transform_2(%arg0: i32) -> (i32, i32) {
    %c0_i32 = arith.constant 0 : i32
    %c0_i32_0 = arith.constant 0 : i32
    %c0_i32_1 = arith.constant 0 : i32
    return %c0_i32, %c0_i32_0 : i32, i32
  }
  func.func @transform_3(%arg0: i32) -> (i32, i32) {
    %c0_i32 = arith.constant 0 : i32
    %c0_i32_0 = arith.constant 0 : i32
    return %arg0, %c0_i32 : i32, i32
  }
}

module attributes {stable_mosaic.version = 14 : i64} {
  func.func @_attn_body(%arg0: i32, %arg1: memref<128x128xf32, #tpu.memory_space<vmem>>, %arg2: memref<4096x128xi32, #tpu.memory_space<vmem>>, %arg3: memref<128x8192xf32, #tpu.memory_space<vmem>>, %arg4: memref<128x32xi32, #tpu.memory_space<vmem>>, %arg5: memref<4096x128xbf16, #tpu.memory_space<vmem>>, %arg6: memref<4096x32xbf16, #tpu.memory_space<vmem>>, %arg7: memref<128x128xf32, #tpu.memory_space<vmem>>, %arg8: memref<128x128xf32, #tpu.memory_space<vmem>>, %arg9: memref<1x128xf32, #tpu.memory_space<vmem>>, %arg10: memref<1x128xf32, #tpu.memory_space<vmem>>, %arg11: memref<128x192xf32, #tpu.memory_space<vmem>>, %arg12: memref<1x192xf32, #tpu.memory_space<vmem>>, %arg13: memref<192x128xf32, #tpu.memory_space<vmem>>, %arg14: memref<1x128xf32, #tpu.memory_space<vmem>>, %arg15: memref<1x128xf32, #tpu.memory_space<vmem>>, %arg16: memref<1x128xf32, #tpu.memory_space<vmem>>, %arg17: memref<128x128xf32, #tpu.memory_space<vmem>>) attributes {dimension_semantics = [#tpu.dimension_semantics<arbitrary>], iteration_bounds = array<i64: 64>, scalar_prefetch = 0 : i64, scratch_operands = 0 : i64, tpu.core_type = #tpu.core_type<tc>, window_params = [{transform_indices = @transform_0, window_bounds = array<i64: 128, 128>}, {transform_indices = @transform_1, window_bounds = array<i64: 4096, 128>}, {transform_indices = @transform_2, window_bounds = array<i64: 128, 8192>}, {transform_indices = @transform_3, window_bounds = array<i64: 128, 32>}, {pipeline_mode = #tpu.pipeline_mode<synchronous>, transform_indices = @transform_4, window_bounds = array<i64: 4096, 128>}, {pipeline_mode = #tpu.pipeline_mode<synchronous>, transform_indices = @transform_5, window_bounds = array<i64: 4096, 32>}, {pipeline_mode = #tpu.pipeline_mode<synchronous>, transform_indices = @transform_6, window_bounds = array<i64: 128, 128>}, {pipeline_mode = #tpu.pipeline_mode<synchronous>, transform_indices = @transform_7, window_bounds = array<i64: 128, 128>}, {pipeline_mode = #tpu.pipeline_mode<synchronous>, transform_indices = @transform_8, window_bounds = array<i64: 1, 128>}, {pipeline_mode = #tpu.pipeline_mode<synchronous>, transform_indices = @transform_9, window_bounds = array<i64: 1, 128>}, {pipeline_mode = #tpu.pipeline_mode<synchronous>, transform_indices = @transform_10, window_bounds = array<i64: 128, 192>}, {pipeline_mode = #tpu.pipeline_mode<synchronous>, transform_indices = @transform_11, window_bounds = array<i64: 1, 192>}, {pipeline_mode = #tpu.pipeline_mode<synchronous>, transform_indices = @transform_12, window_bounds = array<i64: 192, 128>}, {pipeline_mode = #tpu.pipeline_mode<synchronous>, transform_indices = @transform_13, window_bounds = array<i64: 1, 128>}, {pipeline_mode = #tpu.pipeline_mode<synchronous>, transform_indices = @transform_14, window_bounds = array<i64: 1, 128>}, {pipeline_mode = #tpu.pipeline_mode<synchronous>, transform_indices = @transform_15, window_bounds = array<i64: 1, 128>}, {transform_indices = @transform_16, window_bounds = array<i64: 128, 128>}]} {
    %get3A = arith.constant 0 : index
    %get3A_0 = arith.constant 0 : index
    %get3A_1 = vector.load %arg1[%get3A, %get3A_0] : memref<128x128xf32, #tpu.memory_space<vmem>>, vector<128x128xf32>
    %get3A_2 = arith.constant 0 : index
    %get3A_3 = arith.constant 0 : index
    %get3A_4 = vector.load %arg7[%get3A_2, %get3A_3] : memref<128x128xf32, #tpu.memory_space<vmem>>, vector<128x128xf32>
    %dot_general3A = arith.constant dense<0.000000e+00> : vector<128x128xf32>
    %dot_general3A_5 = tpu.matmul %get3A_1, %get3A_4, %dot_general3A {dimension_numbers = #tpu.dot_dimension_numbers<[1], [0], [0], [1], [0, 0, 1, 1], [], []>, transpose_lhs_hint = false} : vector<128x128xf32>, vector<128x128xf32>, vector<128x128xf32> -> vector<128x128xf32>
    %get3A_6 = arith.constant 0 : index
    %get3A_7 = arith.constant 0 : index
    %get3A_8 = vector.load %arg2[%get3A_6, %get3A_7] : memref<4096x128xi32, #tpu.memory_space<vmem>>, vector<4096x128xi32>
    %shift_left3A = arith.constant 16 : i32
    %shift_left3A_9 = vector.broadcast %shift_left3A : i32 to vector<4096x128xi32>
    %shift_left3A_10 = arith.shli %get3A_8, %shift_left3A_9 : vector<4096x128xi32>
    %bitcast_convert_type3A = tpu.bitcast %shift_left3A_10 : vector<4096x128xi32> -> vector<4096x128xf32>
    %and3A = arith.constant -65536 : i32
    %and3A_11 = vector.broadcast %and3A : i32 to vector<4096x128xi32>
    %and3A_12 = arith.andi %get3A_8, %and3A_11 : vector<4096x128xi32>
    %bitcast_convert_type3A_13 = tpu.bitcast %and3A_12 : vector<4096x128xi32> -> vector<4096x128xf32>
    %get3A_14 = arith.constant 0 : index
    %get3A_15 = arith.constant 0 : index
    %get3A_16 = vector.load %arg5[%get3A_14, %get3A_15] : memref<4096x128xbf16, #tpu.memory_space<vmem>>, vector<4096x128xbf16>
    %get3A_17 = arith.constant 0 : index
    %get3A_18 = arith.constant 0 : index
    %get3A_19 = vector.load %arg6[%get3A_17, %get3A_18] : memref<4096x32xbf16, #tpu.memory_space<vmem>>, vector<4096x32xbf16>
    %broadcast_in_dim3A = arith.constant 1.000000e+00 : bf16
    %broadcast_in_dim3A_20 = vector.broadcast %broadcast_in_dim3A : bf16 to vector<128x32xbf16>
    %broadcast_in_dim3A_21 = arith.constant 1.000000e+00 : bf16
    %broadcast_in_dim3A_22 = vector.broadcast %broadcast_in_dim3A_21 : bf16 to vector<32x128xbf16>
    %convert_element_type3A = arith.truncf %dot_general3A_5 : vector<128x128xf32> to vector<128x128xbf16>
    %dot_general3A_23 = arith.constant dense<0.000000e+00> : vector<4096x128xf32>
    %dot_general3A_24 = tpu.matmul %get3A_16, %convert_element_type3A, %dot_general3A_23 {dimension_numbers = #tpu.dot_dimension_numbers<[1], [0], [0], [1], [0, 0, 1, 1], [], []>, transpose_lhs_hint = false} : vector<4096x128xbf16>, vector<128x128xbf16>, vector<4096x128xf32> -> vector<4096x128xf32>
    %mul3A = arith.mulf %dot_general3A_24, %bitcast_convert_type3A : vector<4096x128xf32>
    %convert_element_type3A_25 = arith.truncf %mul3A : vector<4096x128xf32> to vector<4096x128xbf16>
    %dot_general3A_26 = arith.constant dense<0.000000e+00> : vector<4096x32xf32>
    %dot_general3A_27 = tpu.matmul %convert_element_type3A_25, %broadcast_in_dim3A_20, %dot_general3A_26 {dimension_numbers = #tpu.dot_dimension_numbers<[1], [0], [0], [1], [0, 0, 1, 1], [], []>, transpose_lhs_hint = false} : vector<4096x128xbf16>, vector<128x32xbf16>, vector<4096x32xf32> -> vector<4096x32xf32>
    %convert_element_type3A_28 = arith.extf %get3A_19 : vector<4096x32xbf16> to vector<4096x32xf32>
    %mul3A_29 = arith.mulf %dot_general3A_27, %convert_element_type3A_28 : vector<4096x32xf32>
    %reshape3A = vector.shape_cast %mul3A_29 : vector<4096x32xf32> to vector<128x32x32xf32>
    %reduce_sum3A = arith.constant dense<0.000000e+00> : vector<128x32xf32>
    %reduce_sum3A_30 = vector.multi_reduction <add>, %reshape3A, %reduce_sum3A [1] : vector<128x32x32xf32> to vector<128x32xf32>
    %mul3A_31 = arith.constant 0.0883883461 : f32
    %mul3A_32 = vector.broadcast %mul3A_31 : f32 to vector<128x32xf32>
    %mul3A_33 = arith.mulf %reduce_sum3A_30, %mul3A_32 : vector<128x32xf32>
    %get3A_34 = arith.constant 0 : index
    %get3A_35 = arith.constant 0 : index
    %get3A_36 = vector.load %arg4[%get3A_34, %get3A_35] : memref<128x32xi32, #tpu.memory_space<vmem>>, vector<128x32xi32>
    %and3A_37 = arith.constant 127 : i32
    %and3A_38 = vector.broadcast %and3A_37 : i32 to vector<128x32xi32>
    %and3A_39 = arith.andi %get3A_36, %and3A_38 : vector<128x32xi32>
    %shift_right_arithmetic3A = arith.constant 7 : i32
    %shift_right_arithmetic3A_40 = vector.broadcast %shift_right_arithmetic3A : i32 to vector<128x32xi32>
    %shift_right_arithmetic3A_41 = arith.shrsi %get3A_36, %shift_right_arithmetic3A_40 : vector<128x32xi32>
    %broadcast_in_dim3A_42 = arith.constant 0.000000e+00 : f32
    %broadcast_in_dim3A_43 = vector.broadcast %broadcast_in_dim3A_42 : f32 to vector<128x32xf32>
    %broadcast_in_dim3A_44 = arith.constant 0.000000e+00 : f32
    %broadcast_in_dim3A_45 = vector.broadcast %broadcast_in_dim3A_44 : f32 to vector<128x128xf32>
    %get3A_46 = arith.constant 0 : index
    %get3A_47 = arith.constant 0 : index
    %get3A_48 = vector.load %arg3[%get3A_46, %get3A_47] : memref<128x8192xf32, #tpu.memory_space<vmem>>, vector<128x128xf32>
    %gt3A = arith.constant 0.000000e+00 : f32
    %gt3A_49 = vector.broadcast %gt3A : f32 to vector<128x128xf32>
    %gt3A_50 = arith.cmpf ogt, %get3A_48, %gt3A_49 : vector<128x128xf32>
    %jit3A = arith.constant 1.000000e+00 : f32
    %jit3A_51 = arith.constant 0.000000e+00 : f32
    %broadcast_in_dim3A_52 = vector.broadcast %jit3A : f32 to vector<128x128xf32>
    %broadcast_in_dim3A_53 = vector.broadcast %jit3A_51 : f32 to vector<128x128xf32>
    %select_n3A = arith.select %gt3A_50, %broadcast_in_dim3A_52, %broadcast_in_dim3A_53 : vector<128x128xi1>, vector<128x128xf32>
    %add3A = arith.addf %broadcast_in_dim3A_45, %select_n3A : vector<128x128xf32>
    %get3A_54 = arith.constant 0 : index
    %get3A_55 = arith.constant 128 : index
    %get3A_56 = vector.load %arg3[%get3A_54, %get3A_55] : memref<128x8192xf32, #tpu.memory_space<vmem>>, vector<128x128xf32>
    %gt3A_57 = arith.constant 0.000000e+00 : f32
    %gt3A_58 = vector.broadcast %gt3A_57 : f32 to vector<128x128xf32>
    %gt3A_59 = arith.cmpf ogt, %get3A_56, %gt3A_58 : vector<128x128xf32>
    %jit3A_60 = arith.constant 2.000000e+00 : f32
    %jit3A_61 = arith.constant 0.000000e+00 : f32
    %broadcast_in_dim3A_62 = vector.broadcast %jit3A_60 : f32 to vector<128x128xf32>
    %broadcast_in_dim3A_63 = vector.broadcast %jit3A_61 : f32 to vector<128x128xf32>
    %select_n3A_64 = arith.select %gt3A_59, %broadcast_in_dim3A_62, %broadcast_in_dim3A_63 : vector<128x128xi1>, vector<128x128xf32>
    %add3A_65 = arith.addf %add3A, %select_n3A_64 : vector<128x128xf32>
    %get3A_66 = arith.constant 0 : index
    %get3A_67 = arith.constant 256 : index
    %get3A_68 = vector.load %arg3[%get3A_66, %get3A_67] : memref<128x8192xf32, #tpu.memory_space<vmem>>, vector<128x128xf32>
    %gt3A_69 = arith.constant 0.000000e+00 : f32
    %gt3A_70 = vector.broadcast %gt3A_69 : f32 to vector<128x128xf32>
    %gt3A_71 = arith.cmpf ogt, %get3A_68, %gt3A_70 : vector<128x128xf32>
    %jit3A_72 = arith.constant 4.000000e+00 : f32
    %jit3A_73 = arith.constant 0.000000e+00 : f32
    %broadcast_in_dim3A_74 = vector.broadcast %jit3A_72 : f32 to vector<128x128xf32>
    %broadcast_in_dim3A_75 = vector.broadcast %jit3A_73 : f32 to vector<128x128xf32>
    %select_n3A_76 = arith.select %gt3A_71, %broadcast_in_dim3A_74, %broadcast_in_dim3A_75 : vector<128x128xi1>, vector<128x128xf32>
    %add3A_77 = arith.addf %add3A_65, %select_n3A_76 : vector<128x128xf32>
    %get3A_78 = arith.constant 0 : index
    %get3A_79 = arith.constant 384 : index
    %get3A_80 = vector.load %arg3[%get3A_78, %get3A_79] : memref<128x8192xf32, #tpu.memory_space<vmem>>, vector<128x128xf32>
    %gt3A_81 = arith.constant 0.000000e+00 : f32
    %gt3A_82 = vector.broadcast %gt3A_81 : f32 to vector<128x128xf32>
    %gt3A_83 = arith.cmpf ogt, %get3A_80, %gt3A_82 : vector<128x128xf32>
    %jit3A_84 = arith.constant 8.000000e+00 : f32
    %jit3A_85 = arith.constant 0.000000e+00 : f32
    %broadcast_in_dim3A_86 = vector.broadcast %jit3A_84 : f32 to vector<128x128xf32>
    %broadcast_in_dim3A_87 = vector.broadcast %jit3A_85 : f32 to vector<128x128xf32>
    %select_n3A_88 = arith.select %gt3A_83, %broadcast_in_dim3A_86, %broadcast_in_dim3A_87 : vector<128x128xi1>, vector<128x128xf32>
    %add3A_89 = arith.addf %add3A_77, %select_n3A_88 : vector<128x128xf32>
    %get3A_90 = arith.constant 0 : index
    %get3A_91 = arith.constant 512 : index
    %get3A_92 = vector.load %arg3[%get3A_90, %get3A_91] : memref<128x8192xf32, #tpu.memory_space<vmem>>, vector<128x128xf32>
    %gt3A_93 = arith.constant 0.000000e+00 : f32
    %gt3A_94 = vector.broadcast %gt3A_93 : f32 to vector<128x128xf32>
    %gt3A_95 = arith.cmpf ogt, %get3A_92, %gt3A_94 : vector<128x128xf32>
    %jit3A_96 = arith.constant 1.600000e+01 : f32
    %jit3A_97 = arith.constant 0.000000e+00 : f32
    %broadcast_in_dim3A_98 = vector.broadcast %jit3A_96 : f32 to vector<128x128xf32>
    %broadcast_in_dim3A_99 = vector.broadcast %jit3A_97 : f32 to vector<128x128xf32>
    %select_n3A_100 = arith.select %gt3A_95, %broadcast_in_dim3A_98, %broadcast_in_dim3A_99 : vector<128x128xi1>, vector<128x128xf32>
    %add3A_101 = arith.addf %add3A_89, %select_n3A_100 : vector<128x128xf32>
    %get3A_102 = arith.constant 0 : index
    %get3A_103 = arith.constant 640 : index
    %get3A_104 = vector.load %arg3[%get3A_102, %get3A_103] : memref<128x8192xf32, #tpu.memory_space<vmem>>, vector<128x128xf32>
    %gt3A_105 = arith.constant 0.000000e+00 : f32
    %gt3A_106 = vector.broadcast %gt3A_105 : f32 to vector<128x128xf32>
    %gt3A_107 = arith.cmpf ogt, %get3A_104, %gt3A_106 : vector<128x128xf32>
    %jit3A_108 = arith.constant 3.200000e+01 : f32
    %jit3A_109 = arith.constant 0.000000e+00 : f32
    %broadcast_in_dim3A_110 = vector.broadcast %jit3A_108 : f32 to vector<128x128xf32>
    %broadcast_in_dim3A_111 = vector.broadcast %jit3A_109 : f32 to vector<128x128xf32>
    %select_n3A_112 = arith.select %gt3A_107, %broadcast_in_dim3A_110, %broadcast_in_dim3A_111 : vector<128x128xi1>, vector<128x128xf32>
    %add3A_113 = arith.addf %add3A_101, %select_n3A_112 : vector<128x128xf32>
    %get3A_114 = arith.constant 0 : index
    %get3A_115 = arith.constant 768 : index
    %get3A_116 = vector.load %arg3[%get3A_114, %get3A_115] : memref<128x8192xf32, #tpu.memory_space<vmem>>, vector<128x128xf32>
    %gt3A_117 = arith.constant 0.000000e+00 : f32
    %gt3A_118 = vector.broadcast %gt3A_117 : f32 to vector<128x128xf32>
    %gt3A_119 = arith.cmpf ogt, %get3A_116, %gt3A_118 : vector<128x128xf32>
    %jit3A_120 = arith.constant 6.400000e+01 : f32
    %jit3A_121 = arith.constant 0.000000e+00 : f32
    %broadcast_in_dim3A_122 = vector.broadcast %jit3A_120 : f32 to vector<128x128xf32>
    %broadcast_in_dim3A_123 = vector.broadcast %jit3A_121 : f32 to vector<128x128xf32>
    %select_n3A_124 = arith.select %gt3A_119, %broadcast_in_dim3A_122, %broadcast_in_dim3A_123 : vector<128x128xi1>, vector<128x128xf32>
    %add3A_125 = arith.addf %add3A_113, %select_n3A_124 : vector<128x128xf32>
    %get3A_126 = arith.constant 0 : index
    %get3A_127 = arith.constant 896 : index
    %get3A_128 = vector.load %arg3[%get3A_126, %get3A_127] : memref<128x8192xf32, #tpu.memory_space<vmem>>, vector<128x128xf32>
    %gt3A_129 = arith.constant 0.000000e+00 : f32
    %gt3A_130 = vector.broadcast %gt3A_129 : f32 to vector<128x128xf32>
    %gt3A_131 = arith.cmpf ogt, %get3A_128, %gt3A_130 : vector<128x128xf32>
    %jit3A_132 = arith.constant 1.280000e+02 : f32
    %jit3A_133 = arith.constant 0.000000e+00 : f32
    %broadcast_in_dim3A_134 = vector.broadcast %jit3A_132 : f32 to vector<128x128xf32>
    %broadcast_in_dim3A_135 = vector.broadcast %jit3A_133 : f32 to vector<128x128xf32>
    %select_n3A_136 = arith.select %gt3A_131, %broadcast_in_dim3A_134, %broadcast_in_dim3A_135 : vector<128x128xi1>, vector<128x128xf32>
    %add3A_137 = arith.addf %add3A_125, %select_n3A_136 : vector<128x128xf32>
    %get3A_138 = arith.constant 0 : index
    %get3A_139 = arith.constant 1024 : index
    %get3A_140 = vector.load %arg3[%get3A_138, %get3A_139] : memref<128x8192xf32, #tpu.memory_space<vmem>>, vector<128x128xf32>
    %gt3A_141 = arith.constant 0.000000e+00 : f32
    %gt3A_142 = vector.broadcast %gt3A_141 : f32 to vector<128x128xf32>
    %gt3A_143 = arith.cmpf ogt, %get3A_140, %gt3A_142 : vector<128x128xf32>
    %jit3A_144 = arith.constant 2.560000e+02 : f32
    %jit3A_145 = arith.constant 0.000000e+00 : f32
    %broadcast_in_dim3A_146 = vector.broadcast %jit3A_144 : f32 to vector<128x128xf32>
    %broadcast_in_dim3A_147 = vector.broadcast %jit3A_145 : f32 to vector<128x128xf32>
    %select_n3A_148 = arith.select %gt3A_143, %broadcast_in_dim3A_146, %broadcast_in_dim3A_147 : vector<128x128xi1>, vector<128x128xf32>
    %add3A_149 = arith.addf %add3A_137, %select_n3A_148 : vector<128x128xf32>
    %get3A_150 = arith.constant 0 : index
    %get3A_151 = arith.constant 1152 : index
    %get3A_152 = vector.load %arg3[%get3A_150, %get3A_151] : memref<128x8192xf32, #tpu.memory_space<vmem>>, vector<128x128xf32>
    %gt3A_153 = arith.constant 0.000000e+00 : f32
    %gt3A_154 = vector.broadcast %gt3A_153 : f32 to vector<128x128xf32>
    %gt3A_155 = arith.cmpf ogt, %get3A_152, %gt3A_154 : vector<128x128xf32>
    %jit3A_156 = arith.constant 5.120000e+02 : f32
    %jit3A_157 = arith.constant 0.000000e+00 : f32
    %broadcast_in_dim3A_158 = vector.broadcast %jit3A_156 : f32 to vector<128x128xf32>
    %broadcast_in_dim3A_159 = vector.broadcast %jit3A_157 : f32 to vector<128x128xf32>
    %select_n3A_160 = arith.select %gt3A_155, %broadcast_in_dim3A_158, %broadcast_in_dim3A_159 : vector<128x128xi1>, vector<128x128xf32>
    %add3A_161 = arith.addf %add3A_149, %select_n3A_160 : vector<128x128xf32>
    %get3A_162 = arith.constant 0 : index
    %get3A_163 = arith.constant 1280 : index
    %get3A_164 = vector.load %arg3[%get3A_162, %get3A_163] : memref<128x8192xf32, #tpu.memory_space<vmem>>, vector<128x128xf32>
    %gt3A_165 = arith.constant 0.000000e+00 : f32
    %gt3A_166 = vector.broadcast %gt3A_165 : f32 to vector<128x128xf32>
    %gt3A_167 = arith.cmpf ogt, %get3A_164, %gt3A_166 : vector<128x128xf32>
    %jit3A_168 = arith.constant 1.024000e+03 : f32
    %jit3A_169 = arith.constant 0.000000e+00 : f32
    %broadcast_in_dim3A_170 = vector.broadcast %jit3A_168 : f32 to vector<128x128xf32>
    %broadcast_in_dim3A_171 = vector.broadcast %jit3A_169 : f32 to vector<128x128xf32>
    %select_n3A_172 = arith.select %gt3A_167, %broadcast_in_dim3A_170, %broadcast_in_dim3A_171 : vector<128x128xi1>, vector<128x128xf32>
    %add3A_173 = arith.addf %add3A_161, %select_n3A_172 : vector<128x128xf32>
    %get3A_174 = arith.constant 0 : index
    %get3A_175 = arith.constant 1408 : index
    %get3A_176 = vector.load %arg3[%get3A_174, %get3A_175] : memref<128x8192xf32, #tpu.memory_space<vmem>>, vector<128x128xf32>
    %gt3A_177 = arith.constant 0.000000e+00 : f32
    %gt3A_178 = vector.broadcast %gt3A_177 : f32 to vector<128x128xf32>
    %gt3A_179 = arith.cmpf ogt, %get3A_176, %gt3A_178 : vector<128x128xf32>
    %jit3A_180 = arith.constant 2.048000e+03 : f32
    %jit3A_181 = arith.constant 0.000000e+00 : f32
    %broadcast_in_dim3A_182 = vector.broadcast %jit3A_180 : f32 to vector<128x128xf32>
    %broadcast_in_dim3A_183 = vector.broadcast %jit3A_181 : f32 to vector<128x128xf32>
    %select_n3A_184 = arith.select %gt3A_179, %broadcast_in_dim3A_182, %broadcast_in_dim3A_183 : vector<128x128xi1>, vector<128x128xf32>
    %add3A_185 = arith.addf %add3A_173, %select_n3A_184 : vector<128x128xf32>
    %get3A_186 = arith.constant 0 : index
    %get3A_187 = arith.constant 1536 : index
    %get3A_188 = vector.load %arg3[%get3A_186, %get3A_187] : memref<128x8192xf32, #tpu.memory_space<vmem>>, vector<128x128xf32>
    %gt3A_189 = arith.constant 0.000000e+00 : f32
    %gt3A_190 = vector.broadcast %gt3A_189 : f32 to vector<128x128xf32>
    %gt3A_191 = arith.cmpf ogt, %get3A_188, %gt3A_190 : vector<128x128xf32>
    %jit3A_192 = arith.constant 4.096000e+03 : f32
    %jit3A_193 = arith.constant 0.000000e+00 : f32
    %broadcast_in_dim3A_194 = vector.broadcast %jit3A_192 : f32 to vector<128x128xf32>
    %broadcast_in_dim3A_195 = vector.broadcast %jit3A_193 : f32 to vector<128x128xf32>
    %select_n3A_196 = arith.select %gt3A_191, %broadcast_in_dim3A_194, %broadcast_in_dim3A_195 : vector<128x128xi1>, vector<128x128xf32>
    %add3A_197 = arith.addf %add3A_185, %select_n3A_196 : vector<128x128xf32>
    %get3A_198 = arith.constant 0 : index
    %get3A_199 = arith.constant 1664 : index
    %get3A_200 = vector.load %arg3[%get3A_198, %get3A_199] : memref<128x8192xf32, #tpu.memory_space<vmem>>, vector<128x128xf32>
    %gt3A_201 = arith.constant 0.000000e+00 : f32
    %gt3A_202 = vector.broadcast %gt3A_201 : f32 to vector<128x128xf32>
    %gt3A_203 = arith.cmpf ogt, %get3A_200, %gt3A_202 : vector<128x128xf32>
    %jit3A_204 = arith.constant 8.192000e+03 : f32
    %jit3A_205 = arith.constant 0.000000e+00 : f32
    %broadcast_in_dim3A_206 = vector.broadcast %jit3A_204 : f32 to vector<128x128xf32>
    %broadcast_in_dim3A_207 = vector.broadcast %jit3A_205 : f32 to vector<128x128xf32>
    %select_n3A_208 = arith.select %gt3A_203, %broadcast_in_dim3A_206, %broadcast_in_dim3A_207 : vector<128x128xi1>, vector<128x128xf32>
    %add3A_209 = arith.addf %add3A_197, %select_n3A_208 : vector<128x128xf32>
    %get3A_210 = arith.constant 0 : index
    %get3A_211 = arith.constant 1792 : index
    %get3A_212 = vector.load %arg3[%get3A_210, %get3A_211] : memref<128x8192xf32, #tpu.memory_space<vmem>>, vector<128x128xf32>
    %gt3A_213 = arith.constant 0.000000e+00 : f32
    %gt3A_214 = vector.broadcast %gt3A_213 : f32 to vector<128x128xf32>
    %gt3A_215 = arith.cmpf ogt, %get3A_212, %gt3A_214 : vector<128x128xf32>
    %jit3A_216 = arith.constant 1.638400e+04 : f32
    %jit3A_217 = arith.constant 0.000000e+00 : f32
    %broadcast_in_dim3A_218 = vector.broadcast %jit3A_216 : f32 to vector<128x128xf32>
    %broadcast_in_dim3A_219 = vector.broadcast %jit3A_217 : f32 to vector<128x128xf32>
    %select_n3A_220 = arith.select %gt3A_215, %broadcast_in_dim3A_218, %broadcast_in_dim3A_219 : vector<128x128xi1>, vector<128x128xf32>
    %add3A_221 = arith.addf %add3A_209, %select_n3A_220 : vector<128x128xf32>
    %get3A_222 = arith.constant 0 : index
    %get3A_223 = arith.constant 1920 : index
    %get3A_224 = vector.load %arg3[%get3A_222, %get3A_223] : memref<128x8192xf32, #tpu.memory_space<vmem>>, vector<128x128xf32>
    %gt3A_225 = arith.constant 0.000000e+00 : f32
    %gt3A_226 = vector.broadcast %gt3A_225 : f32 to vector<128x128xf32>
    %gt3A_227 = arith.cmpf ogt, %get3A_224, %gt3A_226 : vector<128x128xf32>
    %jit3A_228 = arith.constant 3.276800e+04 : f32
    %jit3A_229 = arith.constant 0.000000e+00 : f32
    %broadcast_in_dim3A_230 = vector.broadcast %jit3A_228 : f32 to vector<128x128xf32>
    %broadcast_in_dim3A_231 = vector.broadcast %jit3A_229 : f32 to vector<128x128xf32>
    %select_n3A_232 = arith.select %gt3A_227, %broadcast_in_dim3A_230, %broadcast_in_dim3A_231 : vector<128x128xi1>, vector<128x128xf32>
    %add3A_233 = arith.addf %add3A_221, %select_n3A_232 : vector<128x128xf32>
    %lt3A = arith.constant 0 : i32
    %lt3A_234 = vector.broadcast %lt3A : i32 to vector<128x32xi32>
    %lt3A_235 = arith.cmpi slt, %and3A_39, %lt3A_234 : vector<128x32xi32>
    %add3A_236 = arith.constant 128 : i32
    %add3A_237 = vector.broadcast %add3A_236 : i32 to vector<128x32xi32>
    %add3A_238 = arith.addi %and3A_39, %add3A_237 : vector<128x32xi32>
    %select_n3A_239 = arith.select %lt3A_235, %add3A_238, %and3A_39 : vector<128x32xi1>, vector<128x32xi32>
    %reshape3A_240 = vector.shape_cast %select_n3A_239 : vector<128x32xi32> to vector<128x32x1xi32>
    %gather3A = vector.shape_cast %reshape3A_240 : vector<128x32x1xi32> to vector<128x32xi32>
    %gather3A_241 = tpu.dynamic_gather %add3A_233[%gather3A] in [1] : vector<128x128xf32>, vector<128x32xi32> -> vector<128x32xf32>
    %shift_right_arithmetic3A_242 = arith.constant 4 : i32
    %shift_right_arithmetic3A_243 = vector.broadcast %shift_right_arithmetic3A_242 : i32 to vector<128x32xi32>
    %shift_right_arithmetic3A_244 = arith.shrsi %shift_right_arithmetic3A_41, %shift_right_arithmetic3A_243 : vector<128x32xi32>
    %eq3A = arith.constant 0 : i32
    %eq3A_245 = vector.broadcast %eq3A : i32 to vector<128x32xi32>
    %eq3A_246 = arith.cmpi eq, %shift_right_arithmetic3A_244, %eq3A_245 : vector<128x32xi32>
    %select_n3A_247 = arith.select %eq3A_246, %gather3A_241, %broadcast_in_dim3A_43 : vector<128x32xi1>, vector<128x32xf32>
    %broadcast_in_dim3A_248 = arith.constant 0.000000e+00 : f32
    %broadcast_in_dim3A_249 = vector.broadcast %broadcast_in_dim3A_248 : f32 to vector<128x128xf32>
    %get3A_250 = arith.constant 0 : index
    %get3A_251 = arith.constant 2048 : index
    %get3A_252 = vector.load %arg3[%get3A_250, %get3A_251] : memref<128x8192xf32, #tpu.memory_space<vmem>>, vector<128x128xf32>
    %gt3A_253 = arith.constant 0.000000e+00 : f32
    %gt3A_254 = vector.broadcast %gt3A_253 : f32 to vector<128x128xf32>
    %gt3A_255 = arith.cmpf ogt, %get3A_252, %gt3A_254 : vector<128x128xf32>
    %jit3A_256 = arith.constant 1.000000e+00 : f32
    %jit3A_257 = arith.constant 0.000000e+00 : f32
    %broadcast_in_dim3A_258 = vector.broadcast %jit3A_256 : f32 to vector<128x128xf32>
    %broadcast_in_dim3A_259 = vector.broadcast %jit3A_257 : f32 to vector<128x128xf32>
    %select_n3A_260 = arith.select %gt3A_255, %broadcast_in_dim3A_258, %broadcast_in_dim3A_259 : vector<128x128xi1>, vector<128x128xf32>
    %add3A_261 = arith.addf %broadcast_in_dim3A_249, %select_n3A_260 : vector<128x128xf32>
    %get3A_262 = arith.constant 0 : index
    %get3A_263 = arith.constant 2176 : index
    %get3A_264 = vector.load %arg3[%get3A_262, %get3A_263] : memref<128x8192xf32, #tpu.memory_space<vmem>>, vector<128x128xf32>
    %gt3A_265 = arith.constant 0.000000e+00 : f32
    %gt3A_266 = vector.broadcast %gt3A_265 : f32 to vector<128x128xf32>
    %gt3A_267 = arith.cmpf ogt, %get3A_264, %gt3A_266 : vector<128x128xf32>
    %jit3A_268 = arith.constant 2.000000e+00 : f32
    %jit3A_269 = arith.constant 0.000000e+00 : f32
    %broadcast_in_dim3A_270 = vector.broadcast %jit3A_268 : f32 to vector<128x128xf32>
    %broadcast_in_dim3A_271 = vector.broadcast %jit3A_269 : f32 to vector<128x128xf32>
    %select_n3A_272 = arith.select %gt3A_267, %broadcast_in_dim3A_270, %broadcast_in_dim3A_271 : vector<128x128xi1>, vector<128x128xf32>
    %add3A_273 = arith.addf %add3A_261, %select_n3A_272 : vector<128x128xf32>
    %get3A_274 = arith.constant 0 : index
    %get3A_275 = arith.constant 2304 : index
    %get3A_276 = vector.load %arg3[%get3A_274, %get3A_275] : memref<128x8192xf32, #tpu.memory_space<vmem>>, vector<128x128xf32>
    %gt3A_277 = arith.constant 0.000000e+00 : f32
    %gt3A_278 = vector.broadcast %gt3A_277 : f32 to vector<128x128xf32>
    %gt3A_279 = arith.cmpf ogt, %get3A_276, %gt3A_278 : vector<128x128xf32>
    %jit3A_280 = arith.constant 4.000000e+00 : f32
    %jit3A_281 = arith.constant 0.000000e+00 : f32
    %broadcast_in_dim3A_282 = vector.broadcast %jit3A_280 : f32 to vector<128x128xf32>
    %broadcast_in_dim3A_283 = vector.broadcast %jit3A_281 : f32 to vector<128x128xf32>
    %select_n3A_284 = arith.select %gt3A_279, %broadcast_in_dim3A_282, %broadcast_in_dim3A_283 : vector<128x128xi1>, vector<128x128xf32>
    %add3A_285 = arith.addf %add3A_273, %select_n3A_284 : vector<128x128xf32>
    %get3A_286 = arith.constant 0 : index
    %get3A_287 = arith.constant 2432 : index
    %get3A_288 = vector.load %arg3[%get3A_286, %get3A_287] : memref<128x8192xf32, #tpu.memory_space<vmem>>, vector<128x128xf32>
    %gt3A_289 = arith.constant 0.000000e+00 : f32
    %gt3A_290 = vector.broadcast %gt3A_289 : f32 to vector<128x128xf32>
    %gt3A_291 = arith.cmpf ogt, %get3A_288, %gt3A_290 : vector<128x128xf32>
    %jit3A_292 = arith.constant 8.000000e+00 : f32
    %jit3A_293 = arith.constant 0.000000e+00 : f32
    %broadcast_in_dim3A_294 = vector.broadcast %jit3A_292 : f32 to vector<128x128xf32>
    %broadcast_in_dim3A_295 = vector.broadcast %jit3A_293 : f32 to vector<128x128xf32>
    %select_n3A_296 = arith.select %gt3A_291, %broadcast_in_dim3A_294, %broadcast_in_dim3A_295 : vector<128x128xi1>, vector<128x128xf32>
    %add3A_297 = arith.addf %add3A_285, %select_n3A_296 : vector<128x128xf32>
    %get3A_298 = arith.constant 0 : index
    %get3A_299 = arith.constant 2560 : index
    %get3A_300 = vector.load %arg3[%get3A_298, %get3A_299] : memref<128x8192xf32, #tpu.memory_space<vmem>>, vector<128x128xf32>
    %gt3A_301 = arith.constant 0.000000e+00 : f32
    %gt3A_302 = vector.broadcast %gt3A_301 : f32 to vector<128x128xf32>
    %gt3A_303 = arith.cmpf ogt, %get3A_300, %gt3A_302 : vector<128x128xf32>
    %jit3A_304 = arith.constant 1.600000e+01 : f32
    %jit3A_305 = arith.constant 0.000000e+00 : f32
    %broadcast_in_dim3A_306 = vector.broadcast %jit3A_304 : f32 to vector<128x128xf32>
    %broadcast_in_dim3A_307 = vector.broadcast %jit3A_305 : f32 to vector<128x128xf32>
    %select_n3A_308 = arith.select %gt3A_303, %broadcast_in_dim3A_306, %broadcast_in_dim3A_307 : vector<128x128xi1>, vector<128x128xf32>
    %add3A_309 = arith.addf %add3A_297, %select_n3A_308 : vector<128x128xf32>
    %get3A_310 = arith.constant 0 : index
    %get3A_311 = arith.constant 2688 : index
    %get3A_312 = vector.load %arg3[%get3A_310, %get3A_311] : memref<128x8192xf32, #tpu.memory_space<vmem>>, vector<128x128xf32>
    %gt3A_313 = arith.constant 0.000000e+00 : f32
    %gt3A_314 = vector.broadcast %gt3A_313 : f32 to vector<128x128xf32>
    %gt3A_315 = arith.cmpf ogt, %get3A_312, %gt3A_314 : vector<128x128xf32>
    %jit3A_316 = arith.constant 3.200000e+01 : f32
    %jit3A_317 = arith.constant 0.000000e+00 : f32
    %broadcast_in_dim3A_318 = vector.broadcast %jit3A_316 : f32 to vector<128x128xf32>
    %broadcast_in_dim3A_319 = vector.broadcast %jit3A_317 : f32 to vector<128x128xf32>
    %select_n3A_320 = arith.select %gt3A_315, %broadcast_in_dim3A_318, %broadcast_in_dim3A_319 : vector<128x128xi1>, vector<128x128xf32>
    %add3A_321 = arith.addf %add3A_309, %select_n3A_320 : vector<128x128xf32>
    %get3A_322 = arith.constant 0 : index
    %get3A_323 = arith.constant 2816 : index
    %get3A_324 = vector.load %arg3[%get3A_322, %get3A_323] : memref<128x8192xf32, #tpu.memory_space<vmem>>, vector<128x128xf32>
    %gt3A_325 = arith.constant 0.000000e+00 : f32
    %gt3A_326 = vector.broadcast %gt3A_325 : f32 to vector<128x128xf32>
    %gt3A_327 = arith.cmpf ogt, %get3A_324, %gt3A_326 : vector<128x128xf32>
    %jit3A_328 = arith.constant 6.400000e+01 : f32
    %jit3A_329 = arith.constant 0.000000e+00 : f32
    %broadcast_in_dim3A_330 = vector.broadcast %jit3A_328 : f32 to vector<128x128xf32>
    %broadcast_in_dim3A_331 = vector.broadcast %jit3A_329 : f32 to vector<128x128xf32>
    %select_n3A_332 = arith.select %gt3A_327, %broadcast_in_dim3A_330, %broadcast_in_dim3A_331 : vector<128x128xi1>, vector<128x128xf32>
    %add3A_333 = arith.addf %add3A_321, %select_n3A_332 : vector<128x128xf32>
    %get3A_334 = arith.constant 0 : index
    %get3A_335 = arith.constant 2944 : index
    %get3A_336 = vector.load %arg3[%get3A_334, %get3A_335] : memref<128x8192xf32, #tpu.memory_space<vmem>>, vector<128x128xf32>
    %gt3A_337 = arith.constant 0.000000e+00 : f32
    %gt3A_338 = vector.broadcast %gt3A_337 : f32 to vector<128x128xf32>
    %gt3A_339 = arith.cmpf ogt, %get3A_336, %gt3A_338 : vector<128x128xf32>
    %jit3A_340 = arith.constant 1.280000e+02 : f32
    %jit3A_341 = arith.constant 0.000000e+00 : f32
    %broadcast_in_dim3A_342 = vector.broadcast %jit3A_340 : f32 to vector<128x128xf32>
    %broadcast_in_dim3A_343 = vector.broadcast %jit3A_341 : f32 to vector<128x128xf32>
    %select_n3A_344 = arith.select %gt3A_339, %broadcast_in_dim3A_342, %broadcast_in_dim3A_343 : vector<128x128xi1>, vector<128x128xf32>
    %add3A_345 = arith.addf %add3A_333, %select_n3A_344 : vector<128x128xf32>
    %get3A_346 = arith.constant 0 : index
    %get3A_347 = arith.constant 3072 : index
    %get3A_348 = vector.load %arg3[%get3A_346, %get3A_347] : memref<128x8192xf32, #tpu.memory_space<vmem>>, vector<128x128xf32>
    %gt3A_349 = arith.constant 0.000000e+00 : f32
    %gt3A_350 = vector.broadcast %gt3A_349 : f32 to vector<128x128xf32>
    %gt3A_351 = arith.cmpf ogt, %get3A_348, %gt3A_350 : vector<128x128xf32>
    %jit3A_352 = arith.constant 2.560000e+02 : f32
    %jit3A_353 = arith.constant 0.000000e+00 : f32
    %broadcast_in_dim3A_354 = vector.broadcast %jit3A_352 : f32 to vector<128x128xf32>
    %broadcast_in_dim3A_355 = vector.broadcast %jit3A_353 : f32 to vector<128x128xf32>
    %select_n3A_356 = arith.select %gt3A_351, %broadcast_in_dim3A_354, %broadcast_in_dim3A_355 : vector<128x128xi1>, vector<128x128xf32>
    %add3A_357 = arith.addf %add3A_345, %select_n3A_356 : vector<128x128xf32>
    %get3A_358 = arith.constant 0 : index
    %get3A_359 = arith.constant 3200 : index
    %get3A_360 = vector.load %arg3[%get3A_358, %get3A_359] : memref<128x8192xf32, #tpu.memory_space<vmem>>, vector<128x128xf32>
    %gt3A_361 = arith.constant 0.000000e+00 : f32
    %gt3A_362 = vector.broadcast %gt3A_361 : f32 to vector<128x128xf32>
    %gt3A_363 = arith.cmpf ogt, %get3A_360, %gt3A_362 : vector<128x128xf32>
    %jit3A_364 = arith.constant 5.120000e+02 : f32
    %jit3A_365 = arith.constant 0.000000e+00 : f32
    %broadcast_in_dim3A_366 = vector.broadcast %jit3A_364 : f32 to vector<128x128xf32>
    %broadcast_in_dim3A_367 = vector.broadcast %jit3A_365 : f32 to vector<128x128xf32>
    %select_n3A_368 = arith.select %gt3A_363, %broadcast_in_dim3A_366, %broadcast_in_dim3A_367 : vector<128x128xi1>, vector<128x128xf32>
    %add3A_369 = arith.addf %add3A_357, %select_n3A_368 : vector<128x128xf32>
    %get3A_370 = arith.constant 0 : index
    %get3A_371 = arith.constant 3328 : index
    %get3A_372 = vector.load %arg3[%get3A_370, %get3A_371] : memref<128x8192xf32, #tpu.memory_space<vmem>>, vector<128x128xf32>
    %gt3A_373 = arith.constant 0.000000e+00 : f32
    %gt3A_374 = vector.broadcast %gt3A_373 : f32 to vector<128x128xf32>
    %gt3A_375 = arith.cmpf ogt, %get3A_372, %gt3A_374 : vector<128x128xf32>
    %jit3A_376 = arith.constant 1.024000e+03 : f32
    %jit3A_377 = arith.constant 0.000000e+00 : f32
    %broadcast_in_dim3A_378 = vector.broadcast %jit3A_376 : f32 to vector<128x128xf32>
    %broadcast_in_dim3A_379 = vector.broadcast %jit3A_377 : f32 to vector<128x128xf32>
    %select_n3A_380 = arith.select %gt3A_375, %broadcast_in_dim3A_378, %broadcast_in_dim3A_379 : vector<128x128xi1>, vector<128x128xf32>
    %add3A_381 = arith.addf %add3A_369, %select_n3A_380 : vector<128x128xf32>
    %get3A_382 = arith.constant 0 : index
    %get3A_383 = arith.constant 3456 : index
    %get3A_384 = vector.load %arg3[%get3A_382, %get3A_383] : memref<128x8192xf32, #tpu.memory_space<vmem>>, vector<128x128xf32>
    %gt3A_385 = arith.constant 0.000000e+00 : f32
    %gt3A_386 = vector.broadcast %gt3A_385 : f32 to vector<128x128xf32>
    %gt3A_387 = arith.cmpf ogt, %get3A_384, %gt3A_386 : vector<128x128xf32>
    %jit3A_388 = arith.constant 2.048000e+03 : f32
    %jit3A_389 = arith.constant 0.000000e+00 : f32
    %broadcast_in_dim3A_390 = vector.broadcast %jit3A_388 : f32 to vector<128x128xf32>
    %broadcast_in_dim3A_391 = vector.broadcast %jit3A_389 : f32 to vector<128x128xf32>
    %select_n3A_392 = arith.select %gt3A_387, %broadcast_in_dim3A_390, %broadcast_in_dim3A_391 : vector<128x128xi1>, vector<128x128xf32>
    %add3A_393 = arith.addf %add3A_381, %select_n3A_392 : vector<128x128xf32>
    %get3A_394 = arith.constant 0 : index
    %get3A_395 = arith.constant 3584 : index
    %get3A_396 = vector.load %arg3[%get3A_394, %get3A_395] : memref<128x8192xf32, #tpu.memory_space<vmem>>, vector<128x128xf32>
    %gt3A_397 = arith.constant 0.000000e+00 : f32
    %gt3A_398 = vector.broadcast %gt3A_397 : f32 to vector<128x128xf32>
    %gt3A_399 = arith.cmpf ogt, %get3A_396, %gt3A_398 : vector<128x128xf32>
    %jit3A_400 = arith.constant 4.096000e+03 : f32
    %jit3A_401 = arith.constant 0.000000e+00 : f32
    %broadcast_in_dim3A_402 = vector.broadcast %jit3A_400 : f32 to vector<128x128xf32>
    %broadcast_in_dim3A_403 = vector.broadcast %jit3A_401 : f32 to vector<128x128xf32>
    %select_n3A_404 = arith.select %gt3A_399, %broadcast_in_dim3A_402, %broadcast_in_dim3A_403 : vector<128x128xi1>, vector<128x128xf32>
    %add3A_405 = arith.addf %add3A_393, %select_n3A_404 : vector<128x128xf32>
    %get3A_406 = arith.constant 0 : index
    %get3A_407 = arith.constant 3712 : index
    %get3A_408 = vector.load %arg3[%get3A_406, %get3A_407] : memref<128x8192xf32, #tpu.memory_space<vmem>>, vector<128x128xf32>
    %gt3A_409 = arith.constant 0.000000e+00 : f32
    %gt3A_410 = vector.broadcast %gt3A_409 : f32 to vector<128x128xf32>
    %gt3A_411 = arith.cmpf ogt, %get3A_408, %gt3A_410 : vector<128x128xf32>
    %jit3A_412 = arith.constant 8.192000e+03 : f32
    %jit3A_413 = arith.constant 0.000000e+00 : f32
    %broadcast_in_dim3A_414 = vector.broadcast %jit3A_412 : f32 to vector<128x128xf32>
    %broadcast_in_dim3A_415 = vector.broadcast %jit3A_413 : f32 to vector<128x128xf32>
    %select_n3A_416 = arith.select %gt3A_411, %broadcast_in_dim3A_414, %broadcast_in_dim3A_415 : vector<128x128xi1>, vector<128x128xf32>
    %add3A_417 = arith.addf %add3A_405, %select_n3A_416 : vector<128x128xf32>
    %get3A_418 = arith.constant 0 : index
    %get3A_419 = arith.constant 3840 : index
    %get3A_420 = vector.load %arg3[%get3A_418, %get3A_419] : memref<128x8192xf32, #tpu.memory_space<vmem>>, vector<128x128xf32>
    %gt3A_421 = arith.constant 0.000000e+00 : f32
    %gt3A_422 = vector.broadcast %gt3A_421 : f32 to vector<128x128xf32>
    %gt3A_423 = arith.cmpf ogt, %get3A_420, %gt3A_422 : vector<128x128xf32>
    %jit3A_424 = arith.constant 1.638400e+04 : f32
    %jit3A_425 = arith.constant 0.000000e+00 : f32
    %broadcast_in_dim3A_426 = vector.broadcast %jit3A_424 : f32 to vector<128x128xf32>
    %broadcast_in_dim3A_427 = vector.broadcast %jit3A_425 : f32 to vector<128x128xf32>
    %select_n3A_428 = arith.select %gt3A_423, %broadcast_in_dim3A_426, %broadcast_in_dim3A_427 : vector<128x128xi1>, vector<128x128xf32>
    %add3A_429 = arith.addf %add3A_417, %select_n3A_428 : vector<128x128xf32>
    %get3A_430 = arith.constant 0 : index
    %get3A_431 = arith.constant 3968 : index
    %get3A_432 = vector.load %arg3[%get3A_430, %get3A_431] : memref<128x8192xf32, #tpu.memory_space<vmem>>, vector<128x128xf32>
    %gt3A_433 = arith.constant 0.000000e+00 : f32
    %gt3A_434 = vector.broadcast %gt3A_433 : f32 to vector<128x128xf32>
    %gt3A_435 = arith.cmpf ogt, %get3A_432, %gt3A_434 : vector<128x128xf32>
    %jit3A_436 = arith.constant 3.276800e+04 : f32
    %jit3A_437 = arith.constant 0.000000e+00 : f32
    %broadcast_in_dim3A_438 = vector.broadcast %jit3A_436 : f32 to vector<128x128xf32>
    %broadcast_in_dim3A_439 = vector.broadcast %jit3A_437 : f32 to vector<128x128xf32>
    %select_n3A_440 = arith.select %gt3A_435, %broadcast_in_dim3A_438, %broadcast_in_dim3A_439 : vector<128x128xi1>, vector<128x128xf32>
    %add3A_441 = arith.addf %add3A_429, %select_n3A_440 : vector<128x128xf32>
    %lt3A_442 = arith.constant 0 : i32
    %lt3A_443 = vector.broadcast %lt3A_442 : i32 to vector<128x32xi32>
    %lt3A_444 = arith.cmpi slt, %and3A_39, %lt3A_443 : vector<128x32xi32>
    %add3A_445 = arith.constant 128 : i32
    %add3A_446 = vector.broadcast %add3A_445 : i32 to vector<128x32xi32>
    %add3A_447 = arith.addi %and3A_39, %add3A_446 : vector<128x32xi32>
    %select_n3A_448 = arith.select %lt3A_444, %add3A_447, %and3A_39 : vector<128x32xi1>, vector<128x32xi32>
    %reshape3A_449 = vector.shape_cast %select_n3A_448 : vector<128x32xi32> to vector<128x32x1xi32>
    %gather3A_450 = vector.shape_cast %reshape3A_449 : vector<128x32x1xi32> to vector<128x32xi32>
    %gather3A_451 = tpu.dynamic_gather %add3A_441[%gather3A_450] in [1] : vector<128x128xf32>, vector<128x32xi32> -> vector<128x32xf32>
    %shift_right_arithmetic3A_452 = arith.constant 4 : i32
    %shift_right_arithmetic3A_453 = vector.broadcast %shift_right_arithmetic3A_452 : i32 to vector<128x32xi32>
    %shift_right_arithmetic3A_454 = arith.shrsi %shift_right_arithmetic3A_41, %shift_right_arithmetic3A_453 : vector<128x32xi32>
    %eq3A_455 = arith.constant 1 : i32
    %eq3A_456 = vector.broadcast %eq3A_455 : i32 to vector<128x32xi32>
    %eq3A_457 = arith.cmpi eq, %shift_right_arithmetic3A_454, %eq3A_456 : vector<128x32xi32>
    %select_n3A_458 = arith.select %eq3A_457, %gather3A_451, %select_n3A_247 : vector<128x32xi1>, vector<128x32xf32>
    %broadcast_in_dim3A_459 = arith.constant 0.000000e+00 : f32
    %broadcast_in_dim3A_460 = vector.broadcast %broadcast_in_dim3A_459 : f32 to vector<128x128xf32>
    %get3A_461 = arith.constant 0 : index
    %get3A_462 = arith.constant 4096 : index
    %get3A_463 = vector.load %arg3[%get3A_461, %get3A_462] : memref<128x8192xf32, #tpu.memory_space<vmem>>, vector<128x128xf32>
    %gt3A_464 = arith.constant 0.000000e+00 : f32
    %gt3A_465 = vector.broadcast %gt3A_464 : f32 to vector<128x128xf32>
    %gt3A_466 = arith.cmpf ogt, %get3A_463, %gt3A_465 : vector<128x128xf32>
    %jit3A_467 = arith.constant 1.000000e+00 : f32
    %jit3A_468 = arith.constant 0.000000e+00 : f32
    %broadcast_in_dim3A_469 = vector.broadcast %jit3A_467 : f32 to vector<128x128xf32>
    %broadcast_in_dim3A_470 = vector.broadcast %jit3A_468 : f32 to vector<128x128xf32>
    %select_n3A_471 = arith.select %gt3A_466, %broadcast_in_dim3A_469, %broadcast_in_dim3A_470 : vector<128x128xi1>, vector<128x128xf32>
    %add3A_472 = arith.addf %broadcast_in_dim3A_460, %select_n3A_471 : vector<128x128xf32>
    %get3A_473 = arith.constant 0 : index
    %get3A_474 = arith.constant 4224 : index
    %get3A_475 = vector.load %arg3[%get3A_473, %get3A_474] : memref<128x8192xf32, #tpu.memory_space<vmem>>, vector<128x128xf32>
    %gt3A_476 = arith.constant 0.000000e+00 : f32
    %gt3A_477 = vector.broadcast %gt3A_476 : f32 to vector<128x128xf32>
    %gt3A_478 = arith.cmpf ogt, %get3A_475, %gt3A_477 : vector<128x128xf32>
    %jit3A_479 = arith.constant 2.000000e+00 : f32
    %jit3A_480 = arith.constant 0.000000e+00 : f32
    %broadcast_in_dim3A_481 = vector.broadcast %jit3A_479 : f32 to vector<128x128xf32>
    %broadcast_in_dim3A_482 = vector.broadcast %jit3A_480 : f32 to vector<128x128xf32>
    %select_n3A_483 = arith.select %gt3A_478, %broadcast_in_dim3A_481, %broadcast_in_dim3A_482 : vector<128x128xi1>, vector<128x128xf32>
    %add3A_484 = arith.addf %add3A_472, %select_n3A_483 : vector<128x128xf32>
    %get3A_485 = arith.constant 0 : index
    %get3A_486 = arith.constant 4352 : index
    %get3A_487 = vector.load %arg3[%get3A_485, %get3A_486] : memref<128x8192xf32, #tpu.memory_space<vmem>>, vector<128x128xf32>
    %gt3A_488 = arith.constant 0.000000e+00 : f32
    %gt3A_489 = vector.broadcast %gt3A_488 : f32 to vector<128x128xf32>
    %gt3A_490 = arith.cmpf ogt, %get3A_487, %gt3A_489 : vector<128x128xf32>
    %jit3A_491 = arith.constant 4.000000e+00 : f32
    %jit3A_492 = arith.constant 0.000000e+00 : f32
    %broadcast_in_dim3A_493 = vector.broadcast %jit3A_491 : f32 to vector<128x128xf32>
    %broadcast_in_dim3A_494 = vector.broadcast %jit3A_492 : f32 to vector<128x128xf32>
    %select_n3A_495 = arith.select %gt3A_490, %broadcast_in_dim3A_493, %broadcast_in_dim3A_494 : vector<128x128xi1>, vector<128x128xf32>
    %add3A_496 = arith.addf %add3A_484, %select_n3A_495 : vector<128x128xf32>
    %get3A_497 = arith.constant 0 : index
    %get3A_498 = arith.constant 4480 : index
    %get3A_499 = vector.load %arg3[%get3A_497, %get3A_498] : memref<128x8192xf32, #tpu.memory_space<vmem>>, vector<128x128xf32>
    %gt3A_500 = arith.constant 0.000000e+00 : f32
    %gt3A_501 = vector.broadcast %gt3A_500 : f32 to vector<128x128xf32>
    %gt3A_502 = arith.cmpf ogt, %get3A_499, %gt3A_501 : vector<128x128xf32>
    %jit3A_503 = arith.constant 8.000000e+00 : f32
    %jit3A_504 = arith.constant 0.000000e+00 : f32
    %broadcast_in_dim3A_505 = vector.broadcast %jit3A_503 : f32 to vector<128x128xf32>
    %broadcast_in_dim3A_506 = vector.broadcast %jit3A_504 : f32 to vector<128x128xf32>
    %select_n3A_507 = arith.select %gt3A_502, %broadcast_in_dim3A_505, %broadcast_in_dim3A_506 : vector<128x128xi1>, vector<128x128xf32>
    %add3A_508 = arith.addf %add3A_496, %select_n3A_507 : vector<128x128xf32>
    %get3A_509 = arith.constant 0 : index
    %get3A_510 = arith.constant 4608 : index
    %get3A_511 = vector.load %arg3[%get3A_509, %get3A_510] : memref<128x8192xf32, #tpu.memory_space<vmem>>, vector<128x128xf32>
    %gt3A_512 = arith.constant 0.000000e+00 : f32
    %gt3A_513 = vector.broadcast %gt3A_512 : f32 to vector<128x128xf32>
    %gt3A_514 = arith.cmpf ogt, %get3A_511, %gt3A_513 : vector<128x128xf32>
    %jit3A_515 = arith.constant 1.600000e+01 : f32
    %jit3A_516 = arith.constant 0.000000e+00 : f32
    %broadcast_in_dim3A_517 = vector.broadcast %jit3A_515 : f32 to vector<128x128xf32>
    %broadcast_in_dim3A_518 = vector.broadcast %jit3A_516 : f32 to vector<128x128xf32>
    %select_n3A_519 = arith.select %gt3A_514, %broadcast_in_dim3A_517, %broadcast_in_dim3A_518 : vector<128x128xi1>, vector<128x128xf32>
    %add3A_520 = arith.addf %add3A_508, %select_n3A_519 : vector<128x128xf32>
    %get3A_521 = arith.constant 0 : index
    %get3A_522 = arith.constant 4736 : index
    %get3A_523 = vector.load %arg3[%get3A_521, %get3A_522] : memref<128x8192xf32, #tpu.memory_space<vmem>>, vector<128x128xf32>
    %gt3A_524 = arith.constant 0.000000e+00 : f32
    %gt3A_525 = vector.broadcast %gt3A_524 : f32 to vector<128x128xf32>
    %gt3A_526 = arith.cmpf ogt, %get3A_523, %gt3A_525 : vector<128x128xf32>
    %jit3A_527 = arith.constant 3.200000e+01 : f32
    %jit3A_528 = arith.constant 0.000000e+00 : f32
    %broadcast_in_dim3A_529 = vector.broadcast %jit3A_527 : f32 to vector<128x128xf32>
    %broadcast_in_dim3A_530 = vector.broadcast %jit3A_528 : f32 to vector<128x128xf32>
    %select_n3A_531 = arith.select %gt3A_526, %broadcast_in_dim3A_529, %broadcast_in_dim3A_530 : vector<128x128xi1>, vector<128x128xf32>
    %add3A_532 = arith.addf %add3A_520, %select_n3A_531 : vector<128x128xf32>
    %get3A_533 = arith.constant 0 : index
    %get3A_534 = arith.constant 4864 : index
    %get3A_535 = vector.load %arg3[%get3A_533, %get3A_534] : memref<128x8192xf32, #tpu.memory_space<vmem>>, vector<128x128xf32>
    %gt3A_536 = arith.constant 0.000000e+00 : f32
    %gt3A_537 = vector.broadcast %gt3A_536 : f32 to vector<128x128xf32>
    %gt3A_538 = arith.cmpf ogt, %get3A_535, %gt3A_537 : vector<128x128xf32>
    %jit3A_539 = arith.constant 6.400000e+01 : f32
    %jit3A_540 = arith.constant 0.000000e+00 : f32
    %broadcast_in_dim3A_541 = vector.broadcast %jit3A_539 : f32 to vector<128x128xf32>
    %broadcast_in_dim3A_542 = vector.broadcast %jit3A_540 : f32 to vector<128x128xf32>
    %select_n3A_543 = arith.select %gt3A_538, %broadcast_in_dim3A_541, %broadcast_in_dim3A_542 : vector<128x128xi1>, vector<128x128xf32>
    %add3A_544 = arith.addf %add3A_532, %select_n3A_543 : vector<128x128xf32>
    %get3A_545 = arith.constant 0 : index
    %get3A_546 = arith.constant 4992 : index
    %get3A_547 = vector.load %arg3[%get3A_545, %get3A_546] : memref<128x8192xf32, #tpu.memory_space<vmem>>, vector<128x128xf32>
    %gt3A_548 = arith.constant 0.000000e+00 : f32
    %gt3A_549 = vector.broadcast %gt3A_548 : f32 to vector<128x128xf32>
    %gt3A_550 = arith.cmpf ogt, %get3A_547, %gt3A_549 : vector<128x128xf32>
    %jit3A_551 = arith.constant 1.280000e+02 : f32
    %jit3A_552 = arith.constant 0.000000e+00 : f32
    %broadcast_in_dim3A_553 = vector.broadcast %jit3A_551 : f32 to vector<128x128xf32>
    %broadcast_in_dim3A_554 = vector.broadcast %jit3A_552 : f32 to vector<128x128xf32>
    %select_n3A_555 = arith.select %gt3A_550, %broadcast_in_dim3A_553, %broadcast_in_dim3A_554 : vector<128x128xi1>, vector<128x128xf32>
    %add3A_556 = arith.addf %add3A_544, %select_n3A_555 : vector<128x128xf32>
    %get3A_557 = arith.constant 0 : index
    %get3A_558 = arith.constant 5120 : index
    %get3A_559 = vector.load %arg3[%get3A_557, %get3A_558] : memref<128x8192xf32, #tpu.memory_space<vmem>>, vector<128x128xf32>
    %gt3A_560 = arith.constant 0.000000e+00 : f32
    %gt3A_561 = vector.broadcast %gt3A_560 : f32 to vector<128x128xf32>
    %gt3A_562 = arith.cmpf ogt, %get3A_559, %gt3A_561 : vector<128x128xf32>
    %jit3A_563 = arith.constant 2.560000e+02 : f32
    %jit3A_564 = arith.constant 0.000000e+00 : f32
    %broadcast_in_dim3A_565 = vector.broadcast %jit3A_563 : f32 to vector<128x128xf32>
    %broadcast_in_dim3A_566 = vector.broadcast %jit3A_564 : f32 to vector<128x128xf32>
    %select_n3A_567 = arith.select %gt3A_562, %broadcast_in_dim3A_565, %broadcast_in_dim3A_566 : vector<128x128xi1>, vector<128x128xf32>
    %add3A_568 = arith.addf %add3A_556, %select_n3A_567 : vector<128x128xf32>
    %get3A_569 = arith.constant 0 : index
    %get3A_570 = arith.constant 5248 : index
    %get3A_571 = vector.load %arg3[%get3A_569, %get3A_570] : memref<128x8192xf32, #tpu.memory_space<vmem>>, vector<128x128xf32>
    %gt3A_572 = arith.constant 0.000000e+00 : f32
    %gt3A_573 = vector.broadcast %gt3A_572 : f32 to vector<128x128xf32>
    %gt3A_574 = arith.cmpf ogt, %get3A_571, %gt3A_573 : vector<128x128xf32>
    %jit3A_575 = arith.constant 5.120000e+02 : f32
    %jit3A_576 = arith.constant 0.000000e+00 : f32
    %broadcast_in_dim3A_577 = vector.broadcast %jit3A_575 : f32 to vector<128x128xf32>
    %broadcast_in_dim3A_578 = vector.broadcast %jit3A_576 : f32 to vector<128x128xf32>
    %select_n3A_579 = arith.select %gt3A_574, %broadcast_in_dim3A_577, %broadcast_in_dim3A_578 : vector<128x128xi1>, vector<128x128xf32>
    %add3A_580 = arith.addf %add3A_568, %select_n3A_579 : vector<128x128xf32>
    %get3A_581 = arith.constant 0 : index
    %get3A_582 = arith.constant 5376 : index
    %get3A_583 = vector.load %arg3[%get3A_581, %get3A_582] : memref<128x8192xf32, #tpu.memory_space<vmem>>, vector<128x128xf32>
    %gt3A_584 = arith.constant 0.000000e+00 : f32
    %gt3A_585 = vector.broadcast %gt3A_584 : f32 to vector<128x128xf32>
    %gt3A_586 = arith.cmpf ogt, %get3A_583, %gt3A_585 : vector<128x128xf32>
    %jit3A_587 = arith.constant 1.024000e+03 : f32
    %jit3A_588 = arith.constant 0.000000e+00 : f32
    %broadcast_in_dim3A_589 = vector.broadcast %jit3A_587 : f32 to vector<128x128xf32>
    %broadcast_in_dim3A_590 = vector.broadcast %jit3A_588 : f32 to vector<128x128xf32>
    %select_n3A_591 = arith.select %gt3A_586, %broadcast_in_dim3A_589, %broadcast_in_dim3A_590 : vector<128x128xi1>, vector<128x128xf32>
    %add3A_592 = arith.addf %add3A_580, %select_n3A_591 : vector<128x128xf32>
    %get3A_593 = arith.constant 0 : index
    %get3A_594 = arith.constant 5504 : index
    %get3A_595 = vector.load %arg3[%get3A_593, %get3A_594] : memref<128x8192xf32, #tpu.memory_space<vmem>>, vector<128x128xf32>
    %gt3A_596 = arith.constant 0.000000e+00 : f32
    %gt3A_597 = vector.broadcast %gt3A_596 : f32 to vector<128x128xf32>
    %gt3A_598 = arith.cmpf ogt, %get3A_595, %gt3A_597 : vector<128x128xf32>
    %jit3A_599 = arith.constant 2.048000e+03 : f32
    %jit3A_600 = arith.constant 0.000000e+00 : f32
    %broadcast_in_dim3A_601 = vector.broadcast %jit3A_599 : f32 to vector<128x128xf32>
    %broadcast_in_dim3A_602 = vector.broadcast %jit3A_600 : f32 to vector<128x128xf32>
    %select_n3A_603 = arith.select %gt3A_598, %broadcast_in_dim3A_601, %broadcast_in_dim3A_602 : vector<128x128xi1>, vector<128x128xf32>
    %add3A_604 = arith.addf %add3A_592, %select_n3A_603 : vector<128x128xf32>
    %get3A_605 = arith.constant 0 : index
    %get3A_606 = arith.constant 5632 : index
    %get3A_607 = vector.load %arg3[%get3A_605, %get3A_606] : memref<128x8192xf32, #tpu.memory_space<vmem>>, vector<128x128xf32>
    %gt3A_608 = arith.constant 0.000000e+00 : f32
    %gt3A_609 = vector.broadcast %gt3A_608 : f32 to vector<128x128xf32>
    %gt3A_610 = arith.cmpf ogt, %get3A_607, %gt3A_609 : vector<128x128xf32>
    %jit3A_611 = arith.constant 4.096000e+03 : f32
    %jit3A_612 = arith.constant 0.000000e+00 : f32
    %broadcast_in_dim3A_613 = vector.broadcast %jit3A_611 : f32 to vector<128x128xf32>
    %broadcast_in_dim3A_614 = vector.broadcast %jit3A_612 : f32 to vector<128x128xf32>
    %select_n3A_615 = arith.select %gt3A_610, %broadcast_in_dim3A_613, %broadcast_in_dim3A_614 : vector<128x128xi1>, vector<128x128xf32>
    %add3A_616 = arith.addf %add3A_604, %select_n3A_615 : vector<128x128xf32>
    %get3A_617 = arith.constant 0 : index
    %get3A_618 = arith.constant 5760 : index
    %get3A_619 = vector.load %arg3[%get3A_617, %get3A_618] : memref<128x8192xf32, #tpu.memory_space<vmem>>, vector<128x128xf32>
    %gt3A_620 = arith.constant 0.000000e+00 : f32
    %gt3A_621 = vector.broadcast %gt3A_620 : f32 to vector<128x128xf32>
    %gt3A_622 = arith.cmpf ogt, %get3A_619, %gt3A_621 : vector<128x128xf32>
    %jit3A_623 = arith.constant 8.192000e+03 : f32
    %jit3A_624 = arith.constant 0.000000e+00 : f32
    %broadcast_in_dim3A_625 = vector.broadcast %jit3A_623 : f32 to vector<128x128xf32>
    %broadcast_in_dim3A_626 = vector.broadcast %jit3A_624 : f32 to vector<128x128xf32>
    %select_n3A_627 = arith.select %gt3A_622, %broadcast_in_dim3A_625, %broadcast_in_dim3A_626 : vector<128x128xi1>, vector<128x128xf32>
    %add3A_628 = arith.addf %add3A_616, %select_n3A_627 : vector<128x128xf32>
    %get3A_629 = arith.constant 0 : index
    %get3A_630 = arith.constant 5888 : index
    %get3A_631 = vector.load %arg3[%get3A_629, %get3A_630] : memref<128x8192xf32, #tpu.memory_space<vmem>>, vector<128x128xf32>
    %gt3A_632 = arith.constant 0.000000e+00 : f32
    %gt3A_633 = vector.broadcast %gt3A_632 : f32 to vector<128x128xf32>
    %gt3A_634 = arith.cmpf ogt, %get3A_631, %gt3A_633 : vector<128x128xf32>
    %jit3A_635 = arith.constant 1.638400e+04 : f32
    %jit3A_636 = arith.constant 0.000000e+00 : f32
    %broadcast_in_dim3A_637 = vector.broadcast %jit3A_635 : f32 to vector<128x128xf32>
    %broadcast_in_dim3A_638 = vector.broadcast %jit3A_636 : f32 to vector<128x128xf32>
    %select_n3A_639 = arith.select %gt3A_634, %broadcast_in_dim3A_637, %broadcast_in_dim3A_638 : vector<128x128xi1>, vector<128x128xf32>
    %add3A_640 = arith.addf %add3A_628, %select_n3A_639 : vector<128x128xf32>
    %get3A_641 = arith.constant 0 : index
    %get3A_642 = arith.constant 6016 : index
    %get3A_643 = vector.load %arg3[%get3A_641, %get3A_642] : memref<128x8192xf32, #tpu.memory_space<vmem>>, vector<128x128xf32>
    %gt3A_644 = arith.constant 0.000000e+00 : f32
    %gt3A_645 = vector.broadcast %gt3A_644 : f32 to vector<128x128xf32>
    %gt3A_646 = arith.cmpf ogt, %get3A_643, %gt3A_645 : vector<128x128xf32>
    %jit3A_647 = arith.constant 3.276800e+04 : f32
    %jit3A_648 = arith.constant 0.000000e+00 : f32
    %broadcast_in_dim3A_649 = vector.broadcast %jit3A_647 : f32 to vector<128x128xf32>
    %broadcast_in_dim3A_650 = vector.broadcast %jit3A_648 : f32 to vector<128x128xf32>
    %select_n3A_651 = arith.select %gt3A_646, %broadcast_in_dim3A_649, %broadcast_in_dim3A_650 : vector<128x128xi1>, vector<128x128xf32>
    %add3A_652 = arith.addf %add3A_640, %select_n3A_651 : vector<128x128xf32>
    %lt3A_653 = arith.constant 0 : i32
    %lt3A_654 = vector.broadcast %lt3A_653 : i32 to vector<128x32xi32>
    %lt3A_655 = arith.cmpi slt, %and3A_39, %lt3A_654 : vector<128x32xi32>
    %add3A_656 = arith.constant 128 : i32
    %add3A_657 = vector.broadcast %add3A_656 : i32 to vector<128x32xi32>
    %add3A_658 = arith.addi %and3A_39, %add3A_657 : vector<128x32xi32>
    %select_n3A_659 = arith.select %lt3A_655, %add3A_658, %and3A_39 : vector<128x32xi1>, vector<128x32xi32>
    %reshape3A_660 = vector.shape_cast %select_n3A_659 : vector<128x32xi32> to vector<128x32x1xi32>
    %gather3A_661 = vector.shape_cast %reshape3A_660 : vector<128x32x1xi32> to vector<128x32xi32>
    %gather3A_662 = tpu.dynamic_gather %add3A_652[%gather3A_661] in [1] : vector<128x128xf32>, vector<128x32xi32> -> vector<128x32xf32>
    %shift_right_arithmetic3A_663 = arith.constant 4 : i32
    %shift_right_arithmetic3A_664 = vector.broadcast %shift_right_arithmetic3A_663 : i32 to vector<128x32xi32>
    %shift_right_arithmetic3A_665 = arith.shrsi %shift_right_arithmetic3A_41, %shift_right_arithmetic3A_664 : vector<128x32xi32>
    %eq3A_666 = arith.constant 2 : i32
    %eq3A_667 = vector.broadcast %eq3A_666 : i32 to vector<128x32xi32>
    %eq3A_668 = arith.cmpi eq, %shift_right_arithmetic3A_665, %eq3A_667 : vector<128x32xi32>
    %select_n3A_669 = arith.select %eq3A_668, %gather3A_662, %select_n3A_458 : vector<128x32xi1>, vector<128x32xf32>
    %broadcast_in_dim3A_670 = arith.constant 0.000000e+00 : f32
    %broadcast_in_dim3A_671 = vector.broadcast %broadcast_in_dim3A_670 : f32 to vector<128x128xf32>
    %get3A_672 = arith.constant 0 : index
    %get3A_673 = arith.constant 6144 : index
    %get3A_674 = vector.load %arg3[%get3A_672, %get3A_673] : memref<128x8192xf32, #tpu.memory_space<vmem>>, vector<128x128xf32>
    %gt3A_675 = arith.constant 0.000000e+00 : f32
    %gt3A_676 = vector.broadcast %gt3A_675 : f32 to vector<128x128xf32>
    %gt3A_677 = arith.cmpf ogt, %get3A_674, %gt3A_676 : vector<128x128xf32>
    %jit3A_678 = arith.constant 1.000000e+00 : f32
    %jit3A_679 = arith.constant 0.000000e+00 : f32
    %broadcast_in_dim3A_680 = vector.broadcast %jit3A_678 : f32 to vector<128x128xf32>
    %broadcast_in_dim3A_681 = vector.broadcast %jit3A_679 : f32 to vector<128x128xf32>
    %select_n3A_682 = arith.select %gt3A_677, %broadcast_in_dim3A_680, %broadcast_in_dim3A_681 : vector<128x128xi1>, vector<128x128xf32>
    %add3A_683 = arith.addf %broadcast_in_dim3A_671, %select_n3A_682 : vector<128x128xf32>
    %get3A_684 = arith.constant 0 : index
    %get3A_685 = arith.constant 6272 : index
    %get3A_686 = vector.load %arg3[%get3A_684, %get3A_685] : memref<128x8192xf32, #tpu.memory_space<vmem>>, vector<128x128xf32>
    %gt3A_687 = arith.constant 0.000000e+00 : f32
    %gt3A_688 = vector.broadcast %gt3A_687 : f32 to vector<128x128xf32>
    %gt3A_689 = arith.cmpf ogt, %get3A_686, %gt3A_688 : vector<128x128xf32>
    %jit3A_690 = arith.constant 2.000000e+00 : f32
    %jit3A_691 = arith.constant 0.000000e+00 : f32
    %broadcast_in_dim3A_692 = vector.broadcast %jit3A_690 : f32 to vector<128x128xf32>
    %broadcast_in_dim3A_693 = vector.broadcast %jit3A_691 : f32 to vector<128x128xf32>
    %select_n3A_694 = arith.select %gt3A_689, %broadcast_in_dim3A_692, %broadcast_in_dim3A_693 : vector<128x128xi1>, vector<128x128xf32>
    %add3A_695 = arith.addf %add3A_683, %select_n3A_694 : vector<128x128xf32>
    %get3A_696 = arith.constant 0 : index
    %get3A_697 = arith.constant 6400 : index
    %get3A_698 = vector.load %arg3[%get3A_696, %get3A_697] : memref<128x8192xf32, #tpu.memory_space<vmem>>, vector<128x128xf32>
    %gt3A_699 = arith.constant 0.000000e+00 : f32
    %gt3A_700 = vector.broadcast %gt3A_699 : f32 to vector<128x128xf32>
    %gt3A_701 = arith.cmpf ogt, %get3A_698, %gt3A_700 : vector<128x128xf32>
    %jit3A_702 = arith.constant 4.000000e+00 : f32
    %jit3A_703 = arith.constant 0.000000e+00 : f32
    %broadcast_in_dim3A_704 = vector.broadcast %jit3A_702 : f32 to vector<128x128xf32>
    %broadcast_in_dim3A_705 = vector.broadcast %jit3A_703 : f32 to vector<128x128xf32>
    %select_n3A_706 = arith.select %gt3A_701, %broadcast_in_dim3A_704, %broadcast_in_dim3A_705 : vector<128x128xi1>, vector<128x128xf32>
    %add3A_707 = arith.addf %add3A_695, %select_n3A_706 : vector<128x128xf32>
    %get3A_708 = arith.constant 0 : index
    %get3A_709 = arith.constant 6528 : index
    %get3A_710 = vector.load %arg3[%get3A_708, %get3A_709] : memref<128x8192xf32, #tpu.memory_space<vmem>>, vector<128x128xf32>
    %gt3A_711 = arith.constant 0.000000e+00 : f32
    %gt3A_712 = vector.broadcast %gt3A_711 : f32 to vector<128x128xf32>
    %gt3A_713 = arith.cmpf ogt, %get3A_710, %gt3A_712 : vector<128x128xf32>
    %jit3A_714 = arith.constant 8.000000e+00 : f32
    %jit3A_715 = arith.constant 0.000000e+00 : f32
    %broadcast_in_dim3A_716 = vector.broadcast %jit3A_714 : f32 to vector<128x128xf32>
    %broadcast_in_dim3A_717 = vector.broadcast %jit3A_715 : f32 to vector<128x128xf32>
    %select_n3A_718 = arith.select %gt3A_713, %broadcast_in_dim3A_716, %broadcast_in_dim3A_717 : vector<128x128xi1>, vector<128x128xf32>
    %add3A_719 = arith.addf %add3A_707, %select_n3A_718 : vector<128x128xf32>
    %get3A_720 = arith.constant 0 : index
    %get3A_721 = arith.constant 6656 : index
    %get3A_722 = vector.load %arg3[%get3A_720, %get3A_721] : memref<128x8192xf32, #tpu.memory_space<vmem>>, vector<128x128xf32>
    %gt3A_723 = arith.constant 0.000000e+00 : f32
    %gt3A_724 = vector.broadcast %gt3A_723 : f32 to vector<128x128xf32>
    %gt3A_725 = arith.cmpf ogt, %get3A_722, %gt3A_724 : vector<128x128xf32>
    %jit3A_726 = arith.constant 1.600000e+01 : f32
    %jit3A_727 = arith.constant 0.000000e+00 : f32
    %broadcast_in_dim3A_728 = vector.broadcast %jit3A_726 : f32 to vector<128x128xf32>
    %broadcast_in_dim3A_729 = vector.broadcast %jit3A_727 : f32 to vector<128x128xf32>
    %select_n3A_730 = arith.select %gt3A_725, %broadcast_in_dim3A_728, %broadcast_in_dim3A_729 : vector<128x128xi1>, vector<128x128xf32>
    %add3A_731 = arith.addf %add3A_719, %select_n3A_730 : vector<128x128xf32>
    %get3A_732 = arith.constant 0 : index
    %get3A_733 = arith.constant 6784 : index
    %get3A_734 = vector.load %arg3[%get3A_732, %get3A_733] : memref<128x8192xf32, #tpu.memory_space<vmem>>, vector<128x128xf32>
    %gt3A_735 = arith.constant 0.000000e+00 : f32
    %gt3A_736 = vector.broadcast %gt3A_735 : f32 to vector<128x128xf32>
    %gt3A_737 = arith.cmpf ogt, %get3A_734, %gt3A_736 : vector<128x128xf32>
    %jit3A_738 = arith.constant 3.200000e+01 : f32
    %jit3A_739 = arith.constant 0.000000e+00 : f32
    %broadcast_in_dim3A_740 = vector.broadcast %jit3A_738 : f32 to vector<128x128xf32>
    %broadcast_in_dim3A_741 = vector.broadcast %jit3A_739 : f32 to vector<128x128xf32>
    %select_n3A_742 = arith.select %gt3A_737, %broadcast_in_dim3A_740, %broadcast_in_dim3A_741 : vector<128x128xi1>, vector<128x128xf32>
    %add3A_743 = arith.addf %add3A_731, %select_n3A_742 : vector<128x128xf32>
    %get3A_744 = arith.constant 0 : index
    %get3A_745 = arith.constant 6912 : index
    %get3A_746 = vector.load %arg3[%get3A_744, %get3A_745] : memref<128x8192xf32, #tpu.memory_space<vmem>>, vector<128x128xf32>
    %gt3A_747 = arith.constant 0.000000e+00 : f32
    %gt3A_748 = vector.broadcast %gt3A_747 : f32 to vector<128x128xf32>
    %gt3A_749 = arith.cmpf ogt, %get3A_746, %gt3A_748 : vector<128x128xf32>
    %jit3A_750 = arith.constant 6.400000e+01 : f32
    %jit3A_751 = arith.constant 0.000000e+00 : f32
    %broadcast_in_dim3A_752 = vector.broadcast %jit3A_750 : f32 to vector<128x128xf32>
    %broadcast_in_dim3A_753 = vector.broadcast %jit3A_751 : f32 to vector<128x128xf32>
    %select_n3A_754 = arith.select %gt3A_749, %broadcast_in_dim3A_752, %broadcast_in_dim3A_753 : vector<128x128xi1>, vector<128x128xf32>
    %add3A_755 = arith.addf %add3A_743, %select_n3A_754 : vector<128x128xf32>
    %get3A_756 = arith.constant 0 : index
    %get3A_757 = arith.constant 7040 : index
    %get3A_758 = vector.load %arg3[%get3A_756, %get3A_757] : memref<128x8192xf32, #tpu.memory_space<vmem>>, vector<128x128xf32>
    %gt3A_759 = arith.constant 0.000000e+00 : f32
    %gt3A_760 = vector.broadcast %gt3A_759 : f32 to vector<128x128xf32>
    %gt3A_761 = arith.cmpf ogt, %get3A_758, %gt3A_760 : vector<128x128xf32>
    %jit3A_762 = arith.constant 1.280000e+02 : f32
    %jit3A_763 = arith.constant 0.000000e+00 : f32
    %broadcast_in_dim3A_764 = vector.broadcast %jit3A_762 : f32 to vector<128x128xf32>
    %broadcast_in_dim3A_765 = vector.broadcast %jit3A_763 : f32 to vector<128x128xf32>
    %select_n3A_766 = arith.select %gt3A_761, %broadcast_in_dim3A_764, %broadcast_in_dim3A_765 : vector<128x128xi1>, vector<128x128xf32>
    %add3A_767 = arith.addf %add3A_755, %select_n3A_766 : vector<128x128xf32>
    %get3A_768 = arith.constant 0 : index
    %get3A_769 = arith.constant 7168 : index
    %get3A_770 = vector.load %arg3[%get3A_768, %get3A_769] : memref<128x8192xf32, #tpu.memory_space<vmem>>, vector<128x128xf32>
    %gt3A_771 = arith.constant 0.000000e+00 : f32
    %gt3A_772 = vector.broadcast %gt3A_771 : f32 to vector<128x128xf32>
    %gt3A_773 = arith.cmpf ogt, %get3A_770, %gt3A_772 : vector<128x128xf32>
    %jit3A_774 = arith.constant 2.560000e+02 : f32
    %jit3A_775 = arith.constant 0.000000e+00 : f32
    %broadcast_in_dim3A_776 = vector.broadcast %jit3A_774 : f32 to vector<128x128xf32>
    %broadcast_in_dim3A_777 = vector.broadcast %jit3A_775 : f32 to vector<128x128xf32>
    %select_n3A_778 = arith.select %gt3A_773, %broadcast_in_dim3A_776, %broadcast_in_dim3A_777 : vector<128x128xi1>, vector<128x128xf32>
    %add3A_779 = arith.addf %add3A_767, %select_n3A_778 : vector<128x128xf32>
    %get3A_780 = arith.constant 0 : index
    %get3A_781 = arith.constant 7296 : index
    %get3A_782 = vector.load %arg3[%get3A_780, %get3A_781] : memref<128x8192xf32, #tpu.memory_space<vmem>>, vector<128x128xf32>
    %gt3A_783 = arith.constant 0.000000e+00 : f32
    %gt3A_784 = vector.broadcast %gt3A_783 : f32 to vector<128x128xf32>
    %gt3A_785 = arith.cmpf ogt, %get3A_782, %gt3A_784 : vector<128x128xf32>
    %jit3A_786 = arith.constant 5.120000e+02 : f32
    %jit3A_787 = arith.constant 0.000000e+00 : f32
    %broadcast_in_dim3A_788 = vector.broadcast %jit3A_786 : f32 to vector<128x128xf32>
    %broadcast_in_dim3A_789 = vector.broadcast %jit3A_787 : f32 to vector<128x128xf32>
    %select_n3A_790 = arith.select %gt3A_785, %broadcast_in_dim3A_788, %broadcast_in_dim3A_789 : vector<128x128xi1>, vector<128x128xf32>
    %add3A_791 = arith.addf %add3A_779, %select_n3A_790 : vector<128x128xf32>
    %get3A_792 = arith.constant 0 : index
    %get3A_793 = arith.constant 7424 : index
    %get3A_794 = vector.load %arg3[%get3A_792, %get3A_793] : memref<128x8192xf32, #tpu.memory_space<vmem>>, vector<128x128xf32>
    %gt3A_795 = arith.constant 0.000000e+00 : f32
    %gt3A_796 = vector.broadcast %gt3A_795 : f32 to vector<128x128xf32>
    %gt3A_797 = arith.cmpf ogt, %get3A_794, %gt3A_796 : vector<128x128xf32>
    %jit3A_798 = arith.constant 1.024000e+03 : f32
    %jit3A_799 = arith.constant 0.000000e+00 : f32
    %broadcast_in_dim3A_800 = vector.broadcast %jit3A_798 : f32 to vector<128x128xf32>
    %broadcast_in_dim3A_801 = vector.broadcast %jit3A_799 : f32 to vector<128x128xf32>
    %select_n3A_802 = arith.select %gt3A_797, %broadcast_in_dim3A_800, %broadcast_in_dim3A_801 : vector<128x128xi1>, vector<128x128xf32>
    %add3A_803 = arith.addf %add3A_791, %select_n3A_802 : vector<128x128xf32>
    %get3A_804 = arith.constant 0 : index
    %get3A_805 = arith.constant 7552 : index
    %get3A_806 = vector.load %arg3[%get3A_804, %get3A_805] : memref<128x8192xf32, #tpu.memory_space<vmem>>, vector<128x128xf32>
    %gt3A_807 = arith.constant 0.000000e+00 : f32
    %gt3A_808 = vector.broadcast %gt3A_807 : f32 to vector<128x128xf32>
    %gt3A_809 = arith.cmpf ogt, %get3A_806, %gt3A_808 : vector<128x128xf32>
    %jit3A_810 = arith.constant 2.048000e+03 : f32
    %jit3A_811 = arith.constant 0.000000e+00 : f32
    %broadcast_in_dim3A_812 = vector.broadcast %jit3A_810 : f32 to vector<128x128xf32>
    %broadcast_in_dim3A_813 = vector.broadcast %jit3A_811 : f32 to vector<128x128xf32>
    %select_n3A_814 = arith.select %gt3A_809, %broadcast_in_dim3A_812, %broadcast_in_dim3A_813 : vector<128x128xi1>, vector<128x128xf32>
    %add3A_815 = arith.addf %add3A_803, %select_n3A_814 : vector<128x128xf32>
    %get3A_816 = arith.constant 0 : index
    %get3A_817 = arith.constant 7680 : index
    %get3A_818 = vector.load %arg3[%get3A_816, %get3A_817] : memref<128x8192xf32, #tpu.memory_space<vmem>>, vector<128x128xf32>
    %gt3A_819 = arith.constant 0.000000e+00 : f32
    %gt3A_820 = vector.broadcast %gt3A_819 : f32 to vector<128x128xf32>
    %gt3A_821 = arith.cmpf ogt, %get3A_818, %gt3A_820 : vector<128x128xf32>
    %jit3A_822 = arith.constant 4.096000e+03 : f32
    %jit3A_823 = arith.constant 0.000000e+00 : f32
    %broadcast_in_dim3A_824 = vector.broadcast %jit3A_822 : f32 to vector<128x128xf32>
    %broadcast_in_dim3A_825 = vector.broadcast %jit3A_823 : f32 to vector<128x128xf32>
    %select_n3A_826 = arith.select %gt3A_821, %broadcast_in_dim3A_824, %broadcast_in_dim3A_825 : vector<128x128xi1>, vector<128x128xf32>
    %add3A_827 = arith.addf %add3A_815, %select_n3A_826 : vector<128x128xf32>
    %get3A_828 = arith.constant 0 : index
    %get3A_829 = arith.constant 7808 : index
    %get3A_830 = vector.load %arg3[%get3A_828, %get3A_829] : memref<128x8192xf32, #tpu.memory_space<vmem>>, vector<128x128xf32>
    %gt3A_831 = arith.constant 0.000000e+00 : f32
    %gt3A_832 = vector.broadcast %gt3A_831 : f32 to vector<128x128xf32>
    %gt3A_833 = arith.cmpf ogt, %get3A_830, %gt3A_832 : vector<128x128xf32>
    %jit3A_834 = arith.constant 8.192000e+03 : f32
    %jit3A_835 = arith.constant 0.000000e+00 : f32
    %broadcast_in_dim3A_836 = vector.broadcast %jit3A_834 : f32 to vector<128x128xf32>
    %broadcast_in_dim3A_837 = vector.broadcast %jit3A_835 : f32 to vector<128x128xf32>
    %select_n3A_838 = arith.select %gt3A_833, %broadcast_in_dim3A_836, %broadcast_in_dim3A_837 : vector<128x128xi1>, vector<128x128xf32>
    %add3A_839 = arith.addf %add3A_827, %select_n3A_838 : vector<128x128xf32>
    %get3A_840 = arith.constant 0 : index
    %get3A_841 = arith.constant 7936 : index
    %get3A_842 = vector.load %arg3[%get3A_840, %get3A_841] : memref<128x8192xf32, #tpu.memory_space<vmem>>, vector<128x128xf32>
    %gt3A_843 = arith.constant 0.000000e+00 : f32
    %gt3A_844 = vector.broadcast %gt3A_843 : f32 to vector<128x128xf32>
    %gt3A_845 = arith.cmpf ogt, %get3A_842, %gt3A_844 : vector<128x128xf32>
    %jit3A_846 = arith.constant 1.638400e+04 : f32
    %jit3A_847 = arith.constant 0.000000e+00 : f32
    %broadcast_in_dim3A_848 = vector.broadcast %jit3A_846 : f32 to vector<128x128xf32>
    %broadcast_in_dim3A_849 = vector.broadcast %jit3A_847 : f32 to vector<128x128xf32>
    %select_n3A_850 = arith.select %gt3A_845, %broadcast_in_dim3A_848, %broadcast_in_dim3A_849 : vector<128x128xi1>, vector<128x128xf32>
    %add3A_851 = arith.addf %add3A_839, %select_n3A_850 : vector<128x128xf32>
    %get3A_852 = arith.constant 0 : index
    %get3A_853 = arith.constant 8064 : index
    %get3A_854 = vector.load %arg3[%get3A_852, %get3A_853] : memref<128x8192xf32, #tpu.memory_space<vmem>>, vector<128x128xf32>
    %gt3A_855 = arith.constant 0.000000e+00 : f32
    %gt3A_856 = vector.broadcast %gt3A_855 : f32 to vector<128x128xf32>
    %gt3A_857 = arith.cmpf ogt, %get3A_854, %gt3A_856 : vector<128x128xf32>
    %jit3A_858 = arith.constant 3.276800e+04 : f32
    %jit3A_859 = arith.constant 0.000000e+00 : f32
    %broadcast_in_dim3A_860 = vector.broadcast %jit3A_858 : f32 to vector<128x128xf32>
    %broadcast_in_dim3A_861 = vector.broadcast %jit3A_859 : f32 to vector<128x128xf32>
    %select_n3A_862 = arith.select %gt3A_857, %broadcast_in_dim3A_860, %broadcast_in_dim3A_861 : vector<128x128xi1>, vector<128x128xf32>
    %add3A_863 = arith.addf %add3A_851, %select_n3A_862 : vector<128x128xf32>
    %lt3A_864 = arith.constant 0 : i32
    %lt3A_865 = vector.broadcast %lt3A_864 : i32 to vector<128x32xi32>
    %lt3A_866 = arith.cmpi slt, %and3A_39, %lt3A_865 : vector<128x32xi32>
    %add3A_867 = arith.constant 128 : i32
    %add3A_868 = vector.broadcast %add3A_867 : i32 to vector<128x32xi32>
    %add3A_869 = arith.addi %and3A_39, %add3A_868 : vector<128x32xi32>
    %select_n3A_870 = arith.select %lt3A_866, %add3A_869, %and3A_39 : vector<128x32xi1>, vector<128x32xi32>
    %reshape3A_871 = vector.shape_cast %select_n3A_870 : vector<128x32xi32> to vector<128x32x1xi32>
    %gather3A_872 = vector.shape_cast %reshape3A_871 : vector<128x32x1xi32> to vector<128x32xi32>
    %gather3A_873 = tpu.dynamic_gather %add3A_863[%gather3A_872] in [1] : vector<128x128xf32>, vector<128x32xi32> -> vector<128x32xf32>
    %shift_right_arithmetic3A_874 = arith.constant 4 : i32
    %shift_right_arithmetic3A_875 = vector.broadcast %shift_right_arithmetic3A_874 : i32 to vector<128x32xi32>
    %shift_right_arithmetic3A_876 = arith.shrsi %shift_right_arithmetic3A_41, %shift_right_arithmetic3A_875 : vector<128x32xi32>
    %eq3A_877 = arith.constant 3 : i32
    %eq3A_878 = vector.broadcast %eq3A_877 : i32 to vector<128x32xi32>
    %eq3A_879 = arith.cmpi eq, %shift_right_arithmetic3A_876, %eq3A_878 : vector<128x32xi32>
    %select_n3A_880 = arith.select %eq3A_879, %gather3A_873, %select_n3A_669 : vector<128x32xi1>, vector<128x32xf32>
    %convert_element_type3A_881 = arith.fptosi %select_n3A_880 : vector<128x32xf32> to vector<128x32xi32>
    %and3A_882 = arith.constant 15 : i32
    %and3A_883 = vector.broadcast %and3A_882 : i32 to vector<128x32xi32>
    %and3A_884 = arith.andi %shift_right_arithmetic3A_41, %and3A_883 : vector<128x32xi32>
    %shift_right_arithmetic3A_885 = arith.shrsi %convert_element_type3A_881, %and3A_884 : vector<128x32xi32>
    %and3A_886 = arith.constant 1 : i32
    %and3A_887 = vector.broadcast %and3A_886 : i32 to vector<128x32xi32>
    %and3A_888 = arith.andi %shift_right_arithmetic3A_885, %and3A_887 : vector<128x32xi32>
    %eq3A_889 = arith.constant 1 : i32
    %eq3A_890 = vector.broadcast %eq3A_889 : i32 to vector<128x32xi32>
    %eq3A_891 = arith.cmpi eq, %and3A_888, %eq3A_890 : vector<128x32xi32>
    %jit3A_892 = arith.constant 0.000000e+00 : f32
    %jit3A_893 = arith.constant -9.99999977E+21 : f32
    %broadcast_in_dim3A_894 = vector.broadcast %jit3A_892 : f32 to vector<128x32xf32>
    %broadcast_in_dim3A_895 = vector.broadcast %jit3A_893 : f32 to vector<128x32xf32>
    %select_n3A_896 = arith.select %eq3A_891, %broadcast_in_dim3A_894, %broadcast_in_dim3A_895 : vector<128x32xi1>, vector<128x32xf32>
    %add3A_897 = arith.addf %mul3A_33, %select_n3A_896 : vector<128x32xf32>
    %reduce_max3A = arith.constant dense<0xFF800000> : vector<128xf32>
    %reduce_max3A_898 = vector.multi_reduction <maximumf>, %add3A_897, %reduce_max3A [1] : vector<128x32xf32> to vector<128xf32>
    %broadcast_in_dim3A_899 = vector.shape_cast %reduce_max3A_898 : vector<128xf32> to vector<128x1xf32>
    %sub3A = vector.broadcast %broadcast_in_dim3A_899 : vector<128x1xf32> to vector<128x32xf32>
    %sub3A_900 = arith.subf %add3A_897, %sub3A : vector<128x32xf32>
    %exp3A = math.exp %sub3A_900 : vector<128x32xf32>
    %reduce_sum3A_901 = arith.constant dense<0.000000e+00> : vector<128xf32>
    %reduce_sum3A_902 = vector.multi_reduction <add>, %exp3A, %reduce_sum3A_901 [1] : vector<128x32xf32> to vector<128xf32>
    %broadcast_in_dim3A_903 = vector.shape_cast %reduce_sum3A_902 : vector<128xf32> to vector<128x1xf32>
    %div3A = vector.broadcast %broadcast_in_dim3A_903 : vector<128x1xf32> to vector<128x32xf32>
    %div3A_904 = arith.divf %exp3A, %div3A : vector<128x32xf32>
    %convert_element_type3A_905 = arith.truncf %div3A_904 : vector<128x32xf32> to vector<128x32xbf16>
    %dot_general3A_906 = arith.constant dense<0.000000e+00> : vector<4096x32xf32>
    %dot_general3A_907 = tpu.matmul %get3A_16, %convert_element_type3A_905, %dot_general3A_906 {dimension_numbers = #tpu.dot_dimension_numbers<[1], [0], [0], [1], [0, 0, 1, 1], [], []>, transpose_lhs_hint = false} : vector<4096x128xbf16>, vector<128x32xbf16>, vector<4096x32xf32> -> vector<4096x32xf32>
    %convert_element_type3A_908 = arith.extf %get3A_19 : vector<4096x32xbf16> to vector<4096x32xf32>
    %mul3A_909 = arith.mulf %dot_general3A_907, %convert_element_type3A_908 : vector<4096x32xf32>
    %convert_element_type3A_910 = arith.truncf %mul3A_909 : vector<4096x32xf32> to vector<4096x32xbf16>
    %dot_general3A_911 = arith.constant dense<0.000000e+00> : vector<4096x128xf32>
    %dot_general3A_912 = tpu.matmul %convert_element_type3A_910, %broadcast_in_dim3A_22, %dot_general3A_911 {dimension_numbers = #tpu.dot_dimension_numbers<[1], [0], [0], [1], [0, 0, 1, 1], [], []>, transpose_lhs_hint = false} : vector<4096x32xbf16>, vector<32x128xbf16>, vector<4096x128xf32> -> vector<4096x128xf32>
    %mul3A_913 = arith.mulf %dot_general3A_912, %bitcast_convert_type3A_13 : vector<4096x128xf32>
    %reshape3A_914 = vector.shape_cast %mul3A_913 : vector<4096x128xf32> to vector<128x32x128xf32>
    %reduce_sum3A_915 = arith.constant dense<0.000000e+00> : vector<128x128xf32>
    %reduce_sum3A_916 = vector.multi_reduction <add>, %reshape3A_914, %reduce_sum3A_915 [1] : vector<128x32x128xf32> to vector<128x128xf32>
    %get3A_917 = arith.constant 0 : index
    %get3A_918 = arith.constant 0 : index
    %get3A_919 = vector.load %arg8[%get3A_917, %get3A_918] : memref<128x128xf32, #tpu.memory_space<vmem>>, vector<128x128xf32>
    %dot_general3A_920 = arith.constant dense<0.000000e+00> : vector<128x128xf32>
    %dot_general3A_921 = tpu.matmul %reduce_sum3A_916, %get3A_919, %dot_general3A_920 {dimension_numbers = #tpu.dot_dimension_numbers<[1], [0], [0], [1], [0, 0, 1, 1], [], []>, transpose_lhs_hint = false} : vector<128x128xf32>, vector<128x128xf32>, vector<128x128xf32> -> vector<128x128xf32>
    %max3A = arith.constant 0.000000e+00 : f32
    %max3A_922 = vector.broadcast %max3A : f32 to vector<128x128xf32>
    %max3A_923 = arith.maximumf %dot_general3A_921, %max3A_922 : vector<128x128xf32>
    %add3A_924 = arith.addf %get3A_1, %max3A_923 : vector<128x128xf32>
    %reduce_sum3A_925 = arith.constant dense<0.000000e+00> : vector<128xf32>
    %reduce_sum3A_926 = vector.multi_reduction <add>, %add3A_924, %reduce_sum3A_925 [1] : vector<128x128xf32> to vector<128xf32>
    %broadcast_in_dim3A_927 = vector.shape_cast %reduce_sum3A_926 : vector<128xf32> to vector<128x1xf32>
    %div3A_928 = arith.constant 1.280000e+02 : f32
    %div3A_929 = vector.broadcast %div3A_928 : f32 to vector<128x1xf32>
    %div3A_930 = arith.divf %broadcast_in_dim3A_927, %div3A_929 : vector<128x1xf32>
    %sub3A_931 = vector.broadcast %div3A_930 : vector<128x1xf32> to vector<128x128xf32>
    %sub3A_932 = arith.subf %add3A_924, %sub3A_931 : vector<128x128xf32>
    %integer_pow3A = arith.mulf %sub3A_932, %sub3A_932 : vector<128x128xf32>
    %reduce_sum3A_933 = arith.constant dense<0.000000e+00> : vector<128xf32>
    %reduce_sum3A_934 = vector.multi_reduction <add>, %integer_pow3A, %reduce_sum3A_933 [1] : vector<128x128xf32> to vector<128xf32>
    %broadcast_in_dim3A_935 = vector.shape_cast %reduce_sum3A_934 : vector<128xf32> to vector<128x1xf32>
    %div3A_936 = arith.constant 1.280000e+02 : f32
    %div3A_937 = vector.broadcast %div3A_936 : f32 to vector<128x1xf32>
    %div3A_938 = arith.divf %broadcast_in_dim3A_935, %div3A_937 : vector<128x1xf32>
    %sub3A_939 = vector.broadcast %div3A_930 : vector<128x1xf32> to vector<128x128xf32>
    %sub3A_940 = arith.subf %add3A_924, %sub3A_939 : vector<128x128xf32>
    %add3A_941 = arith.constant 9.99999974E-6 : f32
    %add3A_942 = vector.broadcast %add3A_941 : f32 to vector<128x1xf32>
    %add3A_943 = arith.addf %div3A_938, %add3A_942 : vector<128x1xf32>
    %sqrt3A = math.sqrt %add3A_943 : vector<128x1xf32>
    %div3A_944 = vector.broadcast %sqrt3A : vector<128x1xf32> to vector<128x128xf32>
    %div3A_945 = arith.divf %sub3A_940, %div3A_944 : vector<128x128xf32>
    %get3A_946 = arith.constant 0 : index
    %get3A_947 = arith.constant 0 : index
    %get3A_948 = vector.load %arg9[%get3A_946, %get3A_947] : memref<1x128xf32, #tpu.memory_space<vmem>>, vector<1x128xf32>
    %mul3A_949 = vector.broadcast %get3A_948 : vector<1x128xf32> to vector<128x128xf32>
    %mul3A_950 = arith.mulf %div3A_945, %mul3A_949 : vector<128x128xf32>
    %get3A_951 = arith.constant 0 : index
    %get3A_952 = arith.constant 0 : index
    %get3A_953 = vector.load %arg10[%get3A_951, %get3A_952] : memref<1x128xf32, #tpu.memory_space<vmem>>, vector<1x128xf32>
    %add3A_954 = vector.broadcast %get3A_953 : vector<1x128xf32> to vector<128x128xf32>
    %add3A_955 = arith.addf %mul3A_950, %add3A_954 : vector<128x128xf32>
    %get3A_956 = arith.constant 0 : index
    %get3A_957 = arith.constant 0 : index
    %get3A_958 = vector.load %arg11[%get3A_956, %get3A_957] : memref<128x192xf32, #tpu.memory_space<vmem>>, vector<128x192xf32>
    %dot_general3A_959 = arith.constant dense<0.000000e+00> : vector<128x192xf32>
    %dot_general3A_960 = tpu.matmul %add3A_955, %get3A_958, %dot_general3A_959 {dimension_numbers = #tpu.dot_dimension_numbers<[1], [0], [0], [1], [0, 0, 1, 1], [], []>, transpose_lhs_hint = false} : vector<128x128xf32>, vector<128x192xf32>, vector<128x192xf32> -> vector<128x192xf32>
    %get3A_961 = arith.constant 0 : index
    %get3A_962 = arith.constant 0 : index
    %get3A_963 = vector.load %arg12[%get3A_961, %get3A_962] : memref<1x192xf32, #tpu.memory_space<vmem>>, vector<1x192xf32>
    %add3A_964 = vector.broadcast %get3A_963 : vector<1x192xf32> to vector<128x192xf32>
    %add3A_965 = arith.addf %dot_general3A_960, %add3A_964 : vector<128x192xf32>
    %max3A_966 = arith.constant 0.000000e+00 : f32
    %max3A_967 = vector.broadcast %max3A_966 : f32 to vector<128x192xf32>
    %max3A_968 = arith.maximumf %add3A_965, %max3A_967 : vector<128x192xf32>
    %get3A_969 = arith.constant 0 : index
    %get3A_970 = arith.constant 0 : index
    %get3A_971 = vector.load %arg13[%get3A_969, %get3A_970] : memref<192x128xf32, #tpu.memory_space<vmem>>, vector<192x128xf32>
    %dot_general3A_972 = arith.constant dense<0.000000e+00> : vector<128x128xf32>
    %dot_general3A_973 = tpu.matmul %max3A_968, %get3A_971, %dot_general3A_972 {dimension_numbers = #tpu.dot_dimension_numbers<[1], [0], [0], [1], [0, 0, 1, 1], [], []>, transpose_lhs_hint = false} : vector<128x192xf32>, vector<192x128xf32>, vector<128x128xf32> -> vector<128x128xf32>
    %get3A_974 = arith.constant 0 : index
    %get3A_975 = arith.constant 0 : index
    %get3A_976 = vector.load %arg14[%get3A_974, %get3A_975] : memref<1x128xf32, #tpu.memory_space<vmem>>, vector<1x128xf32>
    %add3A_977 = vector.broadcast %get3A_976 : vector<1x128xf32> to vector<128x128xf32>
    %add3A_978 = arith.addf %dot_general3A_973, %add3A_977 : vector<128x128xf32>
    %add3A_979 = arith.addf %add3A_955, %add3A_978 : vector<128x128xf32>
    %reduce_sum3A_980 = arith.constant dense<0.000000e+00> : vector<128xf32>
    %reduce_sum3A_981 = vector.multi_reduction <add>, %add3A_979, %reduce_sum3A_980 [1] : vector<128x128xf32> to vector<128xf32>
    %broadcast_in_dim3A_982 = vector.shape_cast %reduce_sum3A_981 : vector<128xf32> to vector<128x1xf32>
    %div3A_983 = arith.constant 1.280000e+02 : f32
    %div3A_984 = vector.broadcast %div3A_983 : f32 to vector<128x1xf32>
    %div3A_985 = arith.divf %broadcast_in_dim3A_982, %div3A_984 : vector<128x1xf32>
    %sub3A_986 = vector.broadcast %div3A_985 : vector<128x1xf32> to vector<128x128xf32>
    %sub3A_987 = arith.subf %add3A_979, %sub3A_986 : vector<128x128xf32>
    %integer_pow3A_988 = arith.mulf %sub3A_987, %sub3A_987 : vector<128x128xf32>
    %reduce_sum3A_989 = arith.constant dense<0.000000e+00> : vector<128xf32>
    %reduce_sum3A_990 = vector.multi_reduction <add>, %integer_pow3A_988, %reduce_sum3A_989 [1] : vector<128x128xf32> to vector<128xf32>
    %broadcast_in_dim3A_991 = vector.shape_cast %reduce_sum3A_990 : vector<128xf32> to vector<128x1xf32>
    %div3A_992 = arith.constant 1.280000e+02 : f32
    %div3A_993 = vector.broadcast %div3A_992 : f32 to vector<128x1xf32>
    %div3A_994 = arith.divf %broadcast_in_dim3A_991, %div3A_993 : vector<128x1xf32>
    %sub3A_995 = vector.broadcast %div3A_985 : vector<128x1xf32> to vector<128x128xf32>
    %sub3A_996 = arith.subf %add3A_979, %sub3A_995 : vector<128x128xf32>
    %add3A_997 = arith.constant 9.99999974E-6 : f32
    %add3A_998 = vector.broadcast %add3A_997 : f32 to vector<128x1xf32>
    %add3A_999 = arith.addf %div3A_994, %add3A_998 : vector<128x1xf32>
    %sqrt3A_1000 = math.sqrt %add3A_999 : vector<128x1xf32>
    %div3A_1001 = vector.broadcast %sqrt3A_1000 : vector<128x1xf32> to vector<128x128xf32>
    %div3A_1002 = arith.divf %sub3A_996, %div3A_1001 : vector<128x128xf32>
    %get3A_1003 = arith.constant 0 : index
    %get3A_1004 = arith.constant 0 : index
    %get3A_1005 = vector.load %arg15[%get3A_1003, %get3A_1004] : memref<1x128xf32, #tpu.memory_space<vmem>>, vector<1x128xf32>
    %mul3A_1006 = vector.broadcast %get3A_1005 : vector<1x128xf32> to vector<128x128xf32>
    %mul3A_1007 = arith.mulf %div3A_1002, %mul3A_1006 : vector<128x128xf32>
    %get3A_1008 = arith.constant 0 : index
    %get3A_1009 = arith.constant 0 : index
    %get3A_1010 = vector.load %arg16[%get3A_1008, %get3A_1009] : memref<1x128xf32, #tpu.memory_space<vmem>>, vector<1x128xf32>
    %add3A_1011 = vector.broadcast %get3A_1010 : vector<1x128xf32> to vector<128x128xf32>
    %add3A_1012 = arith.addf %mul3A_1007, %add3A_1011 : vector<128x128xf32>
    %swap3A = arith.constant 0 : index
    %swap3A_1013 = arith.constant 0 : index
    %swap3A_1014 = vector.load %arg17[%swap3A, %swap3A_1013] : memref<128x128xf32, #tpu.memory_space<vmem>>, vector<128x128xf32>
    tpu.vector_store %arg17[%swap3A, %swap3A_1013], %add3A_1012 {strides = array<i32>} : memref<128x128xf32, #tpu.memory_space<vmem>>, vector<128x128xf32>,
    return
  }
  func.func @transform_0(%arg0: i32) -> (i32, i32) {
    %c0_i32 = arith.constant 0 : i32
    %c0_i32_0 = arith.constant 0 : i32
    return %arg0, %c0_i32 : i32, i32
  }
  func.func @transform_1(%arg0: i32) -> (i32, i32) {
    %c0_i32 = arith.constant 0 : i32
    %c0_i32_0 = arith.constant 0 : i32
    return %arg0, %c0_i32 : i32, i32
  }
  func.func @transform_2(%arg0: i32) -> (i32, i32) {
    %c0_i32 = arith.constant 0 : i32
    %c0_i32_0 = arith.constant 0 : i32
    return %arg0, %c0_i32 : i32, i32
  }
  func.func @transform_3(%arg0: i32) -> (i32, i32) {
    %c0_i32 = arith.constant 0 : i32
    %c0_i32_0 = arith.constant 0 : i32
    return %arg0, %c0_i32 : i32, i32
  }
  func.func @transform_4(%arg0: i32) -> (i32, i32) {
    %c0_i32 = arith.constant 0 : i32
    %c0_i32_0 = arith.constant 0 : i32
    %c0_i32_1 = arith.constant 0 : i32
    return %c0_i32, %c0_i32_0 : i32, i32
  }
  func.func @transform_5(%arg0: i32) -> (i32, i32) {
    %c0_i32 = arith.constant 0 : i32
    %c0_i32_0 = arith.constant 0 : i32
    %c0_i32_1 = arith.constant 0 : i32
    return %c0_i32, %c0_i32_0 : i32, i32
  }
  func.func @transform_6(%arg0: i32) -> (i32, i32) {
    %c0_i32 = arith.constant 0 : i32
    %c0_i32_0 = arith.constant 0 : i32
    %c0_i32_1 = arith.constant 0 : i32
    return %c0_i32, %c0_i32_0 : i32, i32
  }
  func.func @transform_7(%arg0: i32) -> (i32, i32) {
    %c0_i32 = arith.constant 0 : i32
    %c0_i32_0 = arith.constant 0 : i32
    %c0_i32_1 = arith.constant 0 : i32
    return %c0_i32, %c0_i32_0 : i32, i32
  }
  func.func @transform_8(%arg0: i32) -> (i32, i32) {
    %c0_i32 = arith.constant 0 : i32
    %c0_i32_0 = arith.constant 0 : i32
    %c0_i32_1 = arith.constant 0 : i32
    return %c0_i32, %c0_i32_0 : i32, i32
  }
  func.func @transform_9(%arg0: i32) -> (i32, i32) {
    %c0_i32 = arith.constant 0 : i32
    %c0_i32_0 = arith.constant 0 : i32
    %c0_i32_1 = arith.constant 0 : i32
    return %c0_i32, %c0_i32_0 : i32, i32
  }
  func.func @transform_10(%arg0: i32) -> (i32, i32) {
    %c0_i32 = arith.constant 0 : i32
    %c0_i32_0 = arith.constant 0 : i32
    %c0_i32_1 = arith.constant 0 : i32
    return %c0_i32, %c0_i32_0 : i32, i32
  }
  func.func @transform_11(%arg0: i32) -> (i32, i32) {
    %c0_i32 = arith.constant 0 : i32
    %c0_i32_0 = arith.constant 0 : i32
    %c0_i32_1 = arith.constant 0 : i32
    return %c0_i32, %c0_i32_0 : i32, i32
  }
  func.func @transform_12(%arg0: i32) -> (i32, i32) {
    %c0_i32 = arith.constant 0 : i32
    %c0_i32_0 = arith.constant 0 : i32
    %c0_i32_1 = arith.constant 0 : i32
    return %c0_i32, %c0_i32_0 : i32, i32
  }
  func.func @transform_13(%arg0: i32) -> (i32, i32) {
    %c0_i32 = arith.constant 0 : i32
    %c0_i32_0 = arith.constant 0 : i32
    %c0_i32_1 = arith.constant 0 : i32
    return %c0_i32, %c0_i32_0 : i32, i32
  }
  func.func @transform_14(%arg0: i32) -> (i32, i32) {
    %c0_i32 = arith.constant 0 : i32
    %c0_i32_0 = arith.constant 0 : i32
    %c0_i32_1 = arith.constant 0 : i32
    return %c0_i32, %c0_i32_0 : i32, i32
  }
  func.func @transform_15(%arg0: i32) -> (i32, i32) {
    %c0_i32 = arith.constant 0 : i32
    %c0_i32_0 = arith.constant 0 : i32
    %c0_i32_1 = arith.constant 0 : i32
    return %c0_i32, %c0_i32_0 : i32, i32
  }
  func.func @transform_16(%arg0: i32) -> (i32, i32) {
    %c0_i32 = arith.constant 0 : i32
    %c0_i32_0 = arith.constant 0 : i32
    return %arg0, %c0_i32 : i32, i32
  }
}

</mosaic_0001>

<sc_bundles>
// kernel: kernel.5.cloned.1.call-start
scs
__scs_entry_jumppad:
0x0: {  	(pc) =	sbr.rel $0x88, $3  }
0x1: {  	(tag) =	ssettag $0x0;
	lr =	simm.s32 $0x1  }
0x2: {  	[smem:$0x3F92] =	sst lr;
	_ =	strace $0xD0000000  }
0x3: {  	_ = 	snop  }
0x4: {  	_ = 	snop  }
0x5: {  	_ = 	snop  }
0x6: {  	_ = 	snop  }
0x7: {  	_ = 	snop  }
__scs_overlays_trampoline_lowered:
0x8: {  	[smem:$0x3FA1] =	sst s0  }
0x9: {  	[smem:$0x3FA2] =	sst s1  }
0xa: {  	[smem:$0x3FA3] =	sst s2  }
0xb: {  	[smem:$0x3FA4] =	sst s3  }
0xc: {  	[smem:$0x3FA5] =	sst s4  }
0xd: {  	[smem:$0x3FA6] =	sst s5  }
0xe: {  	[smem:$0x3FA7] =	sst s6  }
0xf: {  	[smem:$0x3FA8] =	sst s7  }
0x10: {  	[smem:$0x3FA9] =	sst s8  }
0x11: {  	[smem:$0x3FAA] =	sst s9;
	s0 =	simm.s32 @!p0 $0x0  }
0x12: {  	s1 =	sld [smem:$0x3F90];
	s0 =	simm.s32 @p0 $0x1  }
0x13: {  	[smem:$0x3FAB] =	sst s0;
	s0 =	simm.s32 @!p1 $0x0  }
0x14: {  	s2 =	sld [smem:$0x3F8F];
	s0 =	simm.s32 @p1 $0x1  }
0x15: {  	[smem:$0x3FAC] =	sst s0;
	s0 =	simm.s32 @!p2 $0x0  }
0x16: {  	s3 =	sld [smem:$0x3FDB];
	s0 =	simm.s32 @p2 $0x1  }
0x17: {  	s4 =	simm.s32 $0x1BF5;
	[smem:$0x3FAE] =	sst s0  }
0x18: {  	s0 =	sld [smem:$0x3F91];
	_ =	swait.ge [sflag:s4], $0x0  }
0x19: {  	s7 =	sld [smem:$0x3F92]  }
0x1a: {  	s8 =	sadd.s32 $0xFFFFE003, lr  }
0x1b: {  	s9 =	sadd.s32 $0xFFFFFEF7, lr;
	s5 =	simm.s32 $0xFFFFFFFF;
	p2 =	slt.u32 s8, $0xFFFFF086  }
0x1c: {  	p1 =	slt.u32 s9, $0xF7A;
	s5 =	simm.s32 @!p2 $0x0  }
0x1d: {  	s5 =	simm.s32 @p1 $0x1;
	p0 =	seq.s32 s7, s2  }
0x1e: {  	s7 =	smul.u32 @!p0 $0xF7A, s2;
	p2 =	seq.s32 @!p0 s5, $0x0  }
0x1f: {  	s9 =	smul.u32 $0xF7A, s1;
	s8 =	simm.s32 @!p0 $0x1BF5;
	p2 =	por !p2, p0  }
0x20: {  	[sflag:s8] =	ssyncset.s32 @!p0 $0xFFFFF086;
	s6 =	sadd.s32 @!p0 s3, s7;
	s7 =	simm.s32 @!p0 $0x108  }
0x21: {  	s3 =	sadd.s32 s3, s9;
	s6 =	sadd.s32 @!p0 $0x88, s6;
	s7 =	simm.s32 @p2 $0x1082  }
0x22: {  	[simem:s7], [sflag:s8] =	dma.local @!p0 [hbm:s6], $0xF7A  }
0x23: {  	s9 =	sor.u32 $0xD0000000, s2;
	s6 =	simm.s32 $0x108;
	_ =	swait.ge @!p0 [sflag:s8], $0x0  }
0x24: {  	s3 =	sadd.s32 $0x88, s3;
	s6 =	simm.s32 @!p1 $0x1082;
	[sflag:s4] =	ssyncset.s32 $0xFFFFF086  }
0x25: {  	[simem:s6], [sflag:s4] =	dma.local [hbm:s3], $0xF7A  }
0x26: {  	[smem:$0x3F92] =	sst s1;
	(tag) =	ssettag s2;
	_ =	strace s9  }
0x27: {  	s1 =	sld [smem:$0x3FA2]  }
0x28: {  	s2 =	sld [smem:$0x3FA3]  }
0x29: {  	s4 =	sld [smem:$0x3FA5]  }
0x2a: {  	p0 =	seq.s32 s5, $0x0;
	s5 =	sld [smem:$0x3FA6]  }
0x2b: {  	s6 =	sld [smem:$0x3FA7]  }
0x2c: {  	s7 =	sld [smem:$0x3FA8]  }
0x2d: {  	s3 =	simm.s32 $0x108;
	s8 =	sld [smem:$0x3FA9]  }
0x2e: {  	s3 =	simm.s32 @!p0 $0x1082;
	s9 =	sld [smem:$0x3FAA]  }
0x2f: {  	lr =	sadd.s32 s0, s3;
	s0 =	sld [smem:$0x3FA1]  }
0x30: {  	s3 =	sld [smem:$0x3FA4]  }
0x31: {  	[smem:$0x3FAD] =	sst s10  }
0x32: {  	s10 =	sld [smem:$0x3FAB];
	_ =	sdelay $0x3  }
0x33: {  	p0 =	seq.s32 s10, $0x1;
	s10 =	sld [smem:$0x3FAD];
	_ =	sdelay $0x3  }
0x34: {  	[smem:$0x3FAD] =	sst s10  }
0x35: {  	s10 =	sld [smem:$0x3FAC];
	_ =	sdelay $0x3  }
0x36: {  	p1 =	seq.s32 s10, $0x1;
	s10 =	sld [smem:$0x3FAD];
	_ =	sdelay $0x3  }
0x37: {  	[smem:$0x3FAD] =	sst s10  }
0x38: {  	s10 =	sld [smem:$0x3FAE]  }
0x39: {  	_ = 	snop;
	(pc) =	sbr.ind lr, $3  }
0x3a: {  	_ = 	snop  }
0x3b: {  	_ = 	snop  }
0x3c: {  	p2 =	seq.s32 s10, $0x1;
	s10 =	sld [smem:$0x3FAD]  }
0x3d: {  	_ =	shalt  }
0x3e: {  	_ =	shalt  }
0x3f: {  	_ =	shalt  }
0x40: {  	_ =	shalt  }
0x41: {  	_ =	shalt  }
0x42: {  	_ =	shalt  }
0x43: {  	_ =	shalt  }
0x44: {  	_ =	shalt  }
0x45: {  	_ =	shalt  }
0x46: {  	_ =	shalt  }
0x47: {  	_ =	shalt  }
0x48: {  	_ =	shalt  }
0x49: {  	_ =	shalt  }
0x4a: {  	_ =	shalt  }
0x4b: {  	_ =	shalt  }
0x4c: {  	_ =	shalt  }
0x4d: {  	_ =	shalt  }
0x4e: {  	_ =	shalt  }
0x4f: {  	_ =	shalt  }
0x50: {  	_ =	shalt  }
0x51: {  	_ =	shalt  }
0x52: {  	_ =	shalt  }
0x53: {  	_ =	shalt  }
0x54: {  	_ =	shalt  }
0x55: {  	_ =	shalt  }
0x56: {  	_ =	shalt  }
0x57: {  	_ =	shalt  }
0x58: {  	_ =	shalt  }
0x59: {  	_ =	shalt  }
0x5a: {  	_ =	shalt  }
0x5b: {  	_ =	shalt  }
0x5c: {  	_ =	shalt  }
0x5d: {  	_ =	shalt  }
0x5e: {  	_ =	shalt  }
0x5f: {  	_ =	shalt  }
0x60: {  	_ =	shalt  }
0x61: {  	_ =	shalt  }
0x62: {  	_ =	shalt  }
0x63: {  	_ =	shalt  }
0x64: {  	_ =	shalt  }
0x65: {  	_ =	shalt  }
0x66: {  	_ =	shalt  }
0x67: {  	_ =	shalt  }
0x68: {  	_ =	shalt  }
0x69: {  	_ =	shalt  }
0x6a: {  	_ =	shalt  }
0x6b: {  	_ =	shalt  }
0x6c: {  	_ =	shalt  }
0x6d: {  	_ =	shalt  }
0x6e: {  	_ =	shalt  }
0x6f: {  	_ =	shalt  }
0x70: {  	_ =	shalt  }
0x71: {  	_ =	shalt  }
0x72: {  	_ =	shalt  }
0x73: {  	_ =	shalt  }
0x74: {  	_ =	shalt  }
0x75: {  	_ =	shalt  }
0x76: {  	_ =	shalt  }
0x77: {  	_ =	shalt  }
0x78: {  	_ =	shalt  }
0x79: {  	_ =	shalt  }
0x7a: {  	_ =	shalt  }
0x7b: {  	_ =	shalt  }
0x7c: {  	_ =	shalt  }
0x7d: {  	_ =	shalt  }
0x7e: {  	_ =	shalt  }
0x7f: {  	_ =	shalt  }
0x80: {  	_ =	shalt  }
0x81: {  	_ =	shalt  }
0x82: {  	_ =	shalt  }
0x83: {  	_ =	shalt  }
0x84: {  	_ =	shalt  }
0x85: {  	_ =	shalt  }
0x86: {  	_ =	shalt  }
0x87: {  	_ =	shalt  }
.Lfunc_end0:
.L_simem_size_0:
called_computation_lowered:
.L_overlay_start_0:
0x88: {  	s2 =	sld [smem:$0x3FD9]  }
0x89: {  	s3 =	sld [smem:$0x3FFE];
	_ =	sdelay $0x1  }
0x8a: {  	s1 =	srdreg.scid  }
0x8b: {  	s0 =	sand.u32 $0x1, s1  }
0x8c: {  	s17 =	sshll.u32 s0, $0xA;
	s2 =	sadd.s32 s3, s2  }
0x8d: {  	s2 =	sadd.s32 s2, s17  }
0x8e: {  	[smem:$0x3FB9] =	sst s2  }
0x8f: {  	_ = 	snop  }
0x90: {  	s2 =	sld [smem:$0x3FD0];
	(tm) =	ssettm $0x1  }
0x91: {  	s18 =	sld [smem:$0x3FFB];
	_ =	sdelay $0x3  }
0x92: {  	_ =	strace s18  }
0x93: {  	s3 =	sld [smem:$0x3FFC];
	_ =	sdelay $0x3  }
0x94: {  	_ =	strace s3  }
0x95: {  	s3 =	sld [smem:$0x3FFD];
	_ =	sdelay $0x3  }
0x96: {  	_ =	strace s3  }
0x97: {  	_ =	strace $0x8FFFFFFF  }
0x98: {  	s19 =	sld [smem:$0x3FDB];
	_ =	sdelay $0x1  }
0x99: {  	s4 =	simm.s32 $_scs_section_size  }
0x9a: {  	s5 =	simm.s32 $_size__tile_overlayer_lowered;
	s6 =	simm.s32 $_tile_overlayer_lowered  }
0x9b: {  	s22 =	simm.s32 $0x1BFF;
	s21 =	sshll.u32 s6, $0x1;
	s3 =	sadd.s32 s4, s19  }
0x9c: {  	s7 =	simm.s32 $0x0;
	s20 =	sshll.u32 s5, $0x1;
	s5 =	sadd.s32 s21, s3  }
0x9d: {  	[timem:s7], [sflag:s22] =	dma.local [hbm:s5], s20  }
0x9e: {  	_ =	swait.ge [sflag:s22], s20  }
0x9f: {  	s4 =	ssub.s32 $0x0, s20;
	[sflag:s22] =	ssyncset.done $0x0  }
0xa0: {  	[sflag:s22] =	ssyncadd.s32 s4;
	_ =	sdelay $0x1  }
0xa1: {  	s23 =	simm.s32 $0x1B8B  }
0xa2: {  	_ =	swait.ge [sflag:s23], $0x1  }
0xa3: {  	[sflag:s23] =	ssyncset.done $0x0  }
0xa4: {  	s25 =	simm.s32 $0x1B8E;
	s24 =	sld [smem:$0x3FFE];
	[sflag:s23] =	ssyncadd.s32 $0xFFFFFFFF  }
0xa5: {  	s26 =	simm.s32 $execute0_lowered;
	[smem:$0x3FD2] =	sst s25  }
0xa6: {  	s5 =	sshll.u32 s26, $0x1;
	_ =	strace $0x80000046;
	[dreg:$0x1] =	wrdreg $0xFFFFFFFF  }
0xa7: {  	s28 =	simm.s32 $_size_execute0_lowered;
	s3 =	sadd.s32 s3, s5;
	[dreg:$0x0] =	wrdreg $0x0  }
0xa8: {  	s5 =	sshll.u32 s28, $0x1;
	[dreg:$0x2] =	wrdreg s3  }
0xa9: {  	[dreg:$0x3] =	wrdreg s5  }
0xaa: {  	[dreg:$0x4] =	wrdreg $0xC0  }
0xab: {  	_ =	task [dreg:s7], $0x5FFFF  }
0xac: {  	[dreg:$0x1] =	wrdreg $0xFFFFFFFF  }
0xad: {  	[dreg:$0x0] =	wrdreg $0x60  }
0xae: {  	[dreg:$0x2] =	wrdreg s2  }
0xaf: {  	[dreg:$0x3] =	wrdreg s24  }
0xb0: {  	[dreg:$0x4] =	wrdreg $0x9  }
0xb1: {  	_ =	task.clear_ibuf [dreg:s7], $0x5FFFF;
	_ =	strace $0x90000046  }
0xb2: {  	s29 =	simm.s32 $0x9;
	_ =	strace $0x80000048  }
0xb3: {  	_ =	swait.ge [sflag:s29], $0x1  }
0xb4: {  	[sflag:s29] =	ssyncadd.s32 $0xFFFFFFFF  }
0xb5: {  	_ =	strace $0x90000048  }
0xb6: {  	_ =	sfence  }
0xb7: {  	s30 =	sld [smem:$0x0];
	_ =	sdelay $0x2  }
0xb8: {  	s31 =	sshll.u32 s1, $0xD;
	s1 =	sshrl.u32 s1, $0x2  }
0xb9: {  	s3 =	sand.u32 $0x4000, s31;
	s1 =	sadd.s32 s1, s30  }
0xba: {  	s0 =	sor.u32 s3, s0;
	s1 =	sshll.u32 s1, $0x11  }
0xbb: {  	s0 =	sor.u32 s1, s0  }
0xbc: {  	s0 =	sadd.s32 $0x8F2B, s0  }
0xbd: {  	[sflag:s0] =	ssyncadd.remote.s32 $0x1  }
0xbe: {  	_ =	sfence.sel $0xFFFF  }
0xbf: {  	[dreg:$0x0] =	wrdreg $0xFFFFFFFF;
	(pc) =	sbr.abs _section_cstart, $3  }
0xc0: {  	[dreg:$0x1] =	wrdreg $0xFFFFFFFF  }
0xc1: {  	_ =	task.clear_ibuf [dreg:s7], $0x2FFFF;
	_ =	strace $0x9FFFFFFF  }
0xc2: {  	(tm) =	ssettm $0x7FFFFFFF  }
0xc3: {  	_ =	shalt  }
tec
execute0_lowered:
.L_overlay_start_1:
0x0: {  	(tag) =	ssettag $0x1  }
0x1: {  	s1 =	rddreg [dreg:$0x0]  }
0x2: {  	s4 =	rddreg [dreg:$0x1]  }
0x3: {  	s0 =	rddreg [dreg:$0x2];
	s5 =	srdreg.scid  }
0x4: {  	s3 =	simm.s32 $0x0;
	s2 =	stileid.u32;
	s9 =	simm.s32 $0x2000  }
0x5: {  	s10 =	simm.s32 $0x6000;
	s11 =	simm.s32 $0x100;
	s12 =	simm.s32 $0xA000  }
0x6: {  	s13 =	simm.s32 $0x180;
	s14 =	simm.s32 $0xE000;
	s15 =	simm.s32 $0x3  }
0x7: {  	s16 =	simm.s32 $0x12000;
	s17 =	simm.s32 $0x5;
	s18 =	simm.s32 $0x2  }
0x8: {  	s19 =	simm.s32 $0x4;
	s20 =	simm.s32 $0x1;
	s21 =	simm.s32 $0x16000  }
0x9: {  	s22 =	simm.s32 $0x0;
	s5 =	sand.u32 $0x1, s5;
	[smem:$0x7FF] =	sst s3  }
0xa: {  	s6 =	sshll.u32 s2, $0xB;
	s29 =	sshll.u32 s2, $0x12;
	s7 =	sshll.u32 s5, $0xA  }
.Ltmp0:
0xb: {  	_ =	strace $0x80000047;
	s8 =	ssub.s32 $0x2, s5;
	(pc) =	sbr.rel .LBB2_1-.Ltmp0, $4  }
0xc: {  	s5 =	sshll.u32 s5, $0x11;
	s6 =	sor.u32 s7, s6;
	s30 =	sshrl.u32 s8, $0x1  }
0xd: {  	s7 =	sadd.s32 s29, s4;
	s6 =	sadd.s32 s6, s4;
	s8 =	ssub.s32 s8, s30  }
0xe: {  	s31 =	sadd.s32 s5, s7;
	s7 =	simm.s32 $0x7;
	s4 =	sadd.s32 $0x2600, s6  }
0xf: {  	s5 =	smax.u32 s8, $0x1;
	s6 =	sadd.s32 $0x2A600, s31;
	s8 =	simm.s32 $0x80  }
.LBB2_9:
0x10: {  	s22 =	sadd.s32 $0x1, s22  }
0x11: {  	p0 =	sne.s32 s22, s5  }
.Ltmp1:
0x12: {  	_ = 	snop;
	(pc) =	sbr.rel @!p0 .LBB2_10-.Ltmp1, $4  }
0x13: {  	_ = 	snop  }
0x14: {  	_ =	swait.ge [sflag:s17], $0x8000  }
0x15: {  	[sflag:s17] =	ssyncset.done $0x0  }
0x16: {  	[sflag:s17] =	ssyncadd.s32 $0xFFFF8000  }
.LBB2_1:
0x17: {  	[tilespmem:s3], [sflag:$0x7] =	stream.linear.gather [hbm4b:s4+s3], $0x2000, $0x38;
	[tilespmem:$0x1A000] =	vst v63  }
0x18: {  	_ =	swait.ge [sflag:s7], $0x2000  }
0x19: {  	[sflag:s7] =	ssyncset.done $0x0  }
0x1a: {  	[sflag:s7] =	ssyncadd.s32 $0xFFFFE000  }
0x1b: {  	[tilespmem:s9], [sflag:$0x1] =	stream.indirect.gather [hbm4b:s1+s8], $0x80, s3, s8, $0xb8;
	[tilespmem:$0x1A000] =	vst v63  }
0x1c: {  	_ = 	snop  }
0x1d: {  	[tilespmem:s10], [sflag:$0x1] =	stream.indirect.gather [hbm4b:s1+s8], $0x80, s8, s8, $0xb8;
	[tilespmem:$0x1A000] =	vst v63  }
.Ltmp2:
0x1e: {  	_ = 	snop;
	(pc) =	sbr.rel .LBB2_2-.Ltmp2, $4  }
0x1f: {  	_ = 	snop  }
0x20: {  	[tilespmem:s12], [sflag:$0x2] =	stream.indirect.gather [hbm4b:s1+s8], $0x80, s11, s8, $0xb8;
	[tilespmem:$0x1A000] =	vst v63  }
0x21: {  	s23 =	simm.s32 $0x280;
	s24 =	smov.u32 s6;
	s25 =	simm.s32 $0x0  }
0x22: {  	[tilespmem:s14], [sflag:$0x2] =	stream.indirect.gather [hbm4b:s1+s8], $0x80, s13, s8, $0xb8;
	[tilespmem:$0x1A000] =	vst v63  }
.LBB2_7:
0x23: {  	_ =	swait.ge [sflag:s15], $0x4000  }
0x24: {  	[sflag:s15] =	ssyncset.done $0x0  }
0x25: {  	[sflag:s15] =	ssyncadd.s32 $0xFFFFC000  }
0x26: {  	_ =	swait.ge [sflag:s15], $0x4000  }
0x27: {  	[sflag:s15] =	ssyncset.done $0x0  }
0x28: {  	[sflag:s15] =	ssyncadd.s32 $0xFFFFC000  }
0x29: {  	[hbm4b:s24+s3] =	stream.linear.scatter [tilespmem:s16], [sflag:$0x6], $0x8000, $0x38;
	[tilespmem:$0x1A000] =	vst v63  }
0x2a: {  	p0 =	sgt.u32 s25, $0x1D;
	_ =	swait.ge [sflag:s17], $0x8000  }
0x2b: {  	s26 =	sadd.s32 @!p0 $0xFFFFFF80, s23;
	[sflag:s17] =	ssyncset.done $0x0  }
0x2c: {  	s28 =	simm.s32 @!p0 $0x80;
	s29 =	simm.s32 @!p0 $0xA000;
	[sflag:s17] =	ssyncadd.s32 $0xFFFF8000  }
0x2d: {  	[tilespmem:s29], [sflag:$0x2] =	stream.indirect.gather @!p0 [hbm4b:s1+s28], $0x80, s26, s28, $0xb8;
	[tilespmem:$0x1A000] =	vst v63  }
0x2e: {  	s26 =	simm.s32 @!p0 $0xE000  }
0x2f: {  	[tilespmem:s26], [sflag:$0x2] =	stream.indirect.gather @!p0 [hbm4b:s1+s28], $0x80, s23, s28, $0xb8;
	[tilespmem:$0x1A000] =	vst v63  }
.LBB2_8:
0x30: {  	s25 =	sadd.s32 $0x1, s25  }
0x31: {  	p0 =	sne.s32 s25, $0x20  }
.Ltmp3:
0x32: {  	_ = 	snop;
	(pc) =	sbr.rel @!p0 .LBB2_9-.Ltmp3, $2  }
0x33: {  	_ =	sdelay $0x2  }
0x34: {  	s23 =	sadd.s32 $0x100, s23;
	s24 =	sadd.s32 $0x1000, s24  }
.LBB2_2:
0x35: {  	s26 =	smul.u32 $0xAB, s25;
	_ =	sdelay $0x1  }
0x36: {  	s26 =	sshrl.u32 s26, $0x9  }
0x37: {  	s26 =	sand.u32 $0x7F, s26  }
0x38: {  	s26 =	smul.u32 $0x3, s26;
	_ =	sdelay $0x1  }
0x39: {  	s26 =	ssub.s32 s25, s26  }
0x3a: {  	s26 =	sand.u32 $0xFF, s26  }
0x3b: {  	p0 =	seq.s32 s26, $0x2  }
.Ltmp4:
0x3c: {  	_ = 	snop;
	(pc) =	sbr.rel @p0 .LBB2_7-.Ltmp4, $1  }
0x3d: {  	_ =	sdelay $0x3  }
0x3e: {  	p0 =	seq.s32 s26, $0x1  }
.Ltmp5:
0x3f: {  	_ = 	snop;
	(pc) =	sbr.rel @!p0 .LBB2_4-.Ltmp5, $1  }
0x40: {  	_ =	sdelay $0x3  }
0x41: {  	_ =	swait.ge [sflag:s18], $0x4000  }
0x42: {  	[sflag:s18] =	ssyncset.done $0x0  }
0x43: {  	[sflag:s18] =	ssyncadd.s32 $0xFFFFC000  }
0x44: {  	_ =	swait.ge [sflag:s18], $0x4000  }
0x45: {  	[sflag:s18] =	ssyncset.done $0x0  }
0x46: {  	[sflag:s18] =	ssyncadd.s32 $0xFFFFC000  }
0x47: {  	[hbm4b:s24+s3] =	stream.linear.scatter [tilespmem:s12], [sflag:$0x5], $0x8000, $0x38;
	[tilespmem:$0x1A000] =	vst v63  }
0x48: {  	p0 =	sgt.u32 s25, $0x1D;
	_ =	swait.ge [sflag:s19], $0x8000  }
.Ltmp6:
0x49: {  	s26 =	sadd.s32 @!p0 $0xFFFFFF80, s23;
	[sflag:s19] =	ssyncset.done $0x0;
	(pc) =	sbr.rel .LBB2_8-.Ltmp6, $4  }
0x4a: {  	s28 =	simm.s32 @!p0 $0x80;
	s29 =	simm.s32 @!p0 $0x2000;
	[sflag:s19] =	ssyncadd.s32 $0xFFFF8000  }
0x4b: {  	[tilespmem:s29], [sflag:$0x1] =	stream.indirect.gather @!p0 [hbm4b:s1+s28], $0x80, s26, s28, $0xb8;
	[tilespmem:$0x1A000] =	vst v63  }
0x4c: {  	s26 =	simm.s32 @!p0 $0x6000  }
0x4d: {  	[tilespmem:s26], [sflag:$0x1] =	stream.indirect.gather @!p0 [hbm4b:s1+s28], $0x80, s23, s28, $0xb8;
	[tilespmem:$0x1A000] =	vst v63  }
.LBB2_4:
0x4e: {  	_ =	swait.ge [sflag:s20], $0x4000  }
0x4f: {  	[sflag:s20] =	ssyncset.done $0x0  }
0x50: {  	p0 =	seq.s32 s25, $0x0;
	[sflag:s20] =	ssyncadd.s32 $0xFFFFC000  }
0x51: {  	p1 =	sgt.u32 @!p0 s25, $0x1D;
	_ =	swait.ge [sflag:s20], $0x4000  }
0x52: {  	p1 =	por p0, !p1;
	[sflag:s20] =	ssyncset.done $0x0  }
.Ltmp7:
0x53: {  	s26 =	simm.s32 @!p0 $0x6;
	[sflag:s20] =	ssyncadd.s32 $0xFFFFC000;
	(pc) =	sbr.rel @!p1 .LBB2_8-.Ltmp7, $4  }
0x54: {  	[hbm4b:s24+s3] =	stream.linear.scatter [tilespmem:s9], [sflag:$0x4], $0x8000, $0x38;
	[tilespmem:$0x1A000] =	vst v63  }
0x55: {  	_ =	swait.ge @!p0 [sflag:s26], $0x8000  }
0x56: {  	[sflag:s26] =	ssyncset.done @!p0 $0x0  }
0x57: {  	[sflag:s26] =	ssyncadd.s32 @!p0 $0xFFFF8000  }
.Ltmp8:
0x58: {  	(pc) =	sbr.rel .LBB2_8-.Ltmp8, $4  }
0x59: {  	s26 =	sadd.s32 $0xFFFFFF80, s23  }
0x5a: {  	[tilespmem:s16], [sflag:$0x3] =	stream.indirect.gather [hbm4b:s1+s8], $0x80, s26, s8, $0xb8;
	[tilespmem:$0x1A000] =	vst v63  }
0x5b: {  	_ = 	snop  }
0x5c: {  	[tilespmem:s21], [sflag:$0x3] =	stream.indirect.gather [hbm4b:s1+s8], $0x80, s23, s8, $0xb8;
	[tilespmem:$0x1A000] =	vst v63  }
.LBB2_10:
0x5d: {  	_ =	sfence.sel $0x180000  }
0x5e: {  	[bflag:$0x0] =	sbarrier.arrive $0xFFFF  }
0x5f: {  	p0 =	sne.s32 s2, $0x0;
	_ =	strace $0x90000047  }
0x60: {  	s0 =	sadd.s32 @!p0 $0x100000, s0;
	[bflag:$0x2] =	sbarrier.arrive $0xFFFF  }
0x61: {  	[sflag:s0] =	ssyncadd.tile.s32 @!p0 $0x1;
	_ =	shalt  }
.Lfunc_end2:
_tile_overlayer_lowered:
.L_overlay_start_2:
0x62: {  	(tag) =	ssettag $0x2  }
0x63: {  	s0 =	rddreg [dreg:$0x0];
	s2 =	stileid.u32  }
0x64: {  	s1 =	rddreg [dreg:$0x1];
	p0 =	sne.s32 s2, $0x0  }
0x65: {  	s3 =	rddreg [dreg:$0x2];
	[bflag:$0x3] =	sbarrier.arrive $0xFFFF;
	s2 =	simm.s32 @!p0 $0x1C07  }
0x66: {  	[timem:s3], [sflag:s2] =	dma.local @!p0 [hbm:s0], s1  }
0x67: {  	s0 =	simm.s32 @!p0 $0x7  }
0x68: {  	_ =	swait.ge @!p0 [sflag:s0], s1  }
0x69: {  	s1 =	ssub.s32 @!p0 $0x0, s1;
	[sflag:s0] =	ssyncset.done @!p0 $0x0  }
0x6a: {  	[sflag:s0] =	ssyncadd.s32 @!p0 s1  }
0x6b: {  	[bflag:$0x3] =	sbarrier.arrive $0xFFFF  }
0x6c: {  	_ =	shalt  }

</sc_bundles>
